<compile_context>
chip_gen: v7x
topology: tpu7x:2x2x1
jax: 0.10.2.dev20260603
libtpu: 0.0.44.dev20260713+nightly
codegen_flags: <defaults>
</compile_context>

<pallas_src>
import functools

import jax
import jax.numpy as jnp
from jax import lax
from jax.experimental import pallas as pl
from jax.experimental.pallas import tpu as pltpu
from jax.experimental.pallas import tpu_sc as plsc

N = 10000
E = 320000
D = 128
C_OUT = 64

NC = 2
NS = 16
NW = NC * NS
EPT = E // NW
K = 80
CH = EPT // K
ZB = 624
NB = 3
F = 2
MAIN = (CH // NB) * NB


def _segment_sum_sc(x, src3, dst3, zrows):

    mesh = plsc.VectorSubcoreMesh(core_axis_name="c", subcore_axis_name="s")

    @functools.partial(
        pl.kernel,
        out_type=jax.ShapeDtypeStruct((NC, N, D), jnp.float32),
        mesh=mesh,
        scratch_types=[
            pltpu.VMEM((CH, K), jnp.int32),
            pltpu.VMEM((CH, K), jnp.int32),
            pltpu.VMEM((NB, K, D), jnp.float32),
            pltpu.VMEM_SHARED((N, D), jnp.float32),
            [pltpu.SemaphoreType.DMA] * NB,
            [pltpu.SemaphoreType.DMA] * NB,
        ],
        compiler_params=pltpu.CompilerParams(use_tc_tiling_on_sc=False),
    )
    def seg_kernel(x_hbm, src_hbm, dst_hbm, z_hbm, out_hbm,
                   src_v, dst_v, rows, acc_sh, g_sems, s_sems):
        cid = lax.axis_index("c")
        sid = lax.axis_index("s")
        tile = cid * NS + sid

        pltpu.sync_copy(src_hbm.at[tile], src_v)
        pltpu.sync_copy(dst_hbm.at[tile], dst_v)
        for b in range(F):
            pltpu.async_copy(x_hbm.at[src_v.at[b]], rows.at[b], g_sems[b])

        pltpu.sync_copy(z_hbm, acc_sh.at[pl.ds(sid * ZB, ZB)])

        @pl.when(sid == NS - 1)
        def _zero_tail():
            pltpu.sync_copy(z_hbm.at[pl.ds(0, N - NS * ZB)],
                            acc_sh.at[pl.ds(NS * ZB, N - NS * ZB)])

        plsc.subcore_barrier()

        def step(j, b):
            pltpu.make_async_copy(x_hbm.at[src_v.at[j]],
                                  rows.at[b], g_sems[b]).wait()
            pltpu.async_copy(rows.at[b], acc_sh.at[dst_v.at[j]],
                             s_sems[b], add=True)
            bb = (b + F) % NB

            @pl.when(jnp.logical_and(jnp.asarray(j + F < CH),
                                     jnp.asarray(j + F >= NB)))
            def _wait_prev_scatter():
                pltpu.make_async_copy(rows.at[bb],
                                      acc_sh.at[dst_v.at[j]],
                                      s_sems[bb]).wait()

            @pl.when(jnp.asarray(j + F < CH))
            def _start_gather():
                pltpu.async_copy(x_hbm.at[src_v.at[j + F]],
                                 rows.at[bb], g_sems[bb])

        def block(base, carry):
            for b in range(NB):
                step(base + b, b)
            return carry

        lax.fori_loop(0, MAIN // NB, lambda m, c: block(m * NB, c), None)
        for jt in range(MAIN, CH):
            step(jt, jt % NB)
        for j2 in range(CH - NB, CH):
            b2 = j2 % NB
            pltpu.make_async_copy(rows.at[b2], acc_sh.at[dst_v.at[0]],
                                  s_sems[b2]).wait()

        plsc.subcore_barrier()

        pltpu.sync_copy(acc_sh.at[pl.ds(sid * ZB, ZB)],
                        out_hbm.at[cid, pl.ds(sid * ZB, ZB)])

        @pl.when(sid == NS - 1)
        def _out_tail():
            pltpu.sync_copy(acc_sh.at[pl.ds(NS * ZB, N - NS * ZB)],
                            out_hbm.at[cid, pl.ds(NS * ZB, N - NS * ZB)])

    return seg_kernel(x, src3, dst3, zrows)


def _layer_tc(p, w):
    RB = 1000

    def body(p_ref, w_ref, o_ref):
        a = p_ref[0] + p_ref[1]
        h = jnp.dot(a, w_ref[...], preferred_element_type=jnp.float32)
        o_ref[...] = jnp.maximum(h, 0.0)

    return pl.pallas_call(
        body,
        grid=(N // RB,),
        in_specs=[
            pl.BlockSpec((NC, RB, D), lambda i: (0, i, 0)),
            pl.BlockSpec((D, D), lambda i: (0, 0)),
        ],
        out_specs=pl.BlockSpec((RB, D), lambda i: (i, 0)),
        out_shape=jax.ShapeDtypeStruct((N, D), jnp.float32),
    )(p, w)


def _final_tc(p, w, cls):
    RB = 1000

    def body(p_ref, w_ref, c_ref, o_ref):
        a = p_ref[0] + p_ref[1]
        h = jnp.dot(a, w_ref[...], preferred_element_type=jnp.float32)
        h = jnp.maximum(h, 0.0)
        z = jnp.dot(h, c_ref[...], preferred_element_type=jnp.float32)
        o_ref[...] = jnp.where(z > 0, 1.0, 0.0)

    return pl.pallas_call(
        body,
        grid=(N // RB,),
        in_specs=[
            pl.BlockSpec((NC, RB, D), lambda i: (0, i, 0)),
            pl.BlockSpec((D, D), lambda i: (0, 0)),
            pl.BlockSpec((D, C_OUT), lambda i: (0, 0)),
        ],
        out_specs=pl.BlockSpec((RB, C_OUT), lambda i: (i, 0)),
        out_shape=jax.ShapeDtypeStruct((N, C_OUT), jnp.float32),
    )(p, w, cls)


def kernel(x, edge_index, weight_list, classifier):
    dst = edge_index[0].astype(jnp.int32).reshape(NW, CH, K)
    src = edge_index[1].astype(jnp.int32).reshape(NW, CH, K)
    zrows = jnp.zeros((ZB, D), jnp.float32)

    p = _segment_sum_sc(x, src, dst, zrows)
    h = _layer_tc(p, weight_list[0])
    p = _segment_sum_sc(h, src, dst, zrows)
    return _final_tc(p, weight_list[1], classifier)

# --- scband reference (transcript-rebuilt; emitter-appended) ---
"""Pipeline reference for scband-net-test-35261681500361 (READ-ONLY COPY).

The authoritative reference and input builder live on the scoring server;
editing this copy changes nothing except your own understanding.
"""

import jax, jax.numpy as jnp
import numpy as np

N = 10000   # n_nodes
E = 320000  # n_edges
D = 128     # d_feat
L = 2       # number of GCN-style layers (len(weight_list))
C = 64      # classifier output dim


def setup_inputs(seed: int = 0) -> dict:
    key = jax.random.key(seed)
    k1, k2, k3, k4 = jax.random.split(key, 4)
    x = jax.random.normal(k1, (N, D), dtype=jnp.float32)
    edge_index = jax.random.randint(k2, (2, E), 0, N, dtype=jnp.int32)
    # weight_list is a python list in the torch module; represented here as a
    # stacked tensor [L, D, D] iterated over on the leading axis.
    weight_list = jax.random.normal(k3, (L, D, D), dtype=jnp.float32) * 0.05
    classifier = jax.random.normal(k4, (D, C), dtype=jnp.float32) * 0.05
    return {"x": x, "edge_index": edge_index, "weight_list": weight_list, "classifier": classifier}


def reference(x, edge_index, weight_list, classifier):
    # Adj is an unweighted scipy sparse adjacency (all stored entries = 1).
    # Adj.dot(x)[i] = sum_{(i,j) in edges} x[j]  ->  scatter-add / segment_sum.
    dst = edge_index[0]
    src = edge_index[1]
    for i in range(weight_list.shape[0]):
        x = jax.ops.segment_sum(x[src], dst, num_segments=N)  # SpMM (A @ x)
        x = x @ weight_list[i]                                 # torch.mm(x, w)
        x = jax.nn.relu(x)                                     # inplace ReLU
    x = x @ classifier
    # x[x > 0] = 1; x[x <= 0] = 0  -> hard binarization
    x = jnp.where(x > 0, 1.0, 0.0).astype(jnp.float32)
    return x

if __name__ == "__main__":
    import jax
    _d = setup_inputs()
    print(jax.jit(kernel)(*tuple(_d.values())))

</pallas_src>

<mosaic_0001>
#map = affine_map<(d0, d1) -> (0, 0)>
#map1 = affine_map<(d0, d1) -> (0, 0, 0)>
module attributes {stable_mosaic.version = 14 : i64} {
  func.func @seg_kernel(%arg0: i32, %arg1: i32, %arg2: memref<10000x128xf32, #tpu.memory_space<hbm>>, %arg3: memref<32x125x80xi32, #tpu.memory_space<hbm>>, %arg4: memref<32x125x80xi32, #tpu.memory_space<hbm>>, %arg5: memref<624x128xf32, #tpu.memory_space<hbm>>, %arg6: memref<2x10000x128xf32, #tpu.memory_space<hbm>>, %arg7: memref<125x80xi32, #tpu.memory_space<vmem>>, %arg8: memref<125x80xi32, #tpu.memory_space<vmem>>, %arg9: memref<3x80x128xf32, #tpu.memory_space<vmem>>, %arg10: memref<10000x128xf32, #tpu.memory_space<vmem_shared>>, %arg11: memref<!tpu.dma_semaphore, #tpu.memory_space<semaphore_mem>>, %arg12: memref<!tpu.dma_semaphore, #tpu.memory_space<semaphore_mem>>, %arg13: memref<!tpu.dma_semaphore, #tpu.memory_space<semaphore_mem>>, %arg14: memref<!tpu.dma_semaphore, #tpu.memory_space<semaphore_mem>>, %arg15: memref<!tpu.dma_semaphore, #tpu.memory_space<semaphore_mem>>, %arg16: memref<!tpu.dma_semaphore, #tpu.memory_space<semaphore_mem>>) attributes {dimension_semantics = [#tpu.dimension_semantics<core_parallel>, #tpu.dimension_semantics<subcore_parallel>], iteration_bounds = array<i64: 2, 16>, scalar_prefetch = 0 : i64, scratch_operands = 10 : i64, tpu.core_type = #tpu.core_type<sc_vector_subcore>, window_params = [{transform_indices = #map}, {transform_indices = #map1}, {transform_indices = #map1}, {transform_indices = #map}, {transform_indices = #map1}]} {
    %mul3A = arith.constant 16 : i32
    %mul3A_0 = arith.muli %arg0, %mul3A : i32
    %add3A = arith.addi %mul3A_0, %arg1 : i32
    "tpu.region"() ({
      %run_scoped3A = tpu.sem_alloc : memref<!tpu.dma_semaphore, #tpu.memory_space<semaphore_mem>>
      %dma_start3A_138 = arith.constant 0 : i32
      %dma_start3A_139 = arith.constant 0 : i32
      %dma_start3A_140 = tpu.memref_slice %arg3[%add3A, %dma_start3A_138, %dma_start3A_139] : memref<32x125x80xi32, #tpu.memory_space<hbm>> -> memref<1x125x80xi32, #tpu.memory_space<hbm>>
      %dma_start3A_141 = tpu.memref_squeeze %dma_start3A_140 : memref<1x125x80xi32, #tpu.memory_space<hbm>> -> memref<125x80xi32, #tpu.memory_space<hbm>>
      %dma_start3A_142 = arith.constant 0 : i32
      %dma_start3A_143 = arith.constant 0 : i32
      %dma_start3A_144 = tpu.memref_slice %arg3[%add3A, %dma_start3A_142, %dma_start3A_143] : memref<32x125x80xi32, #tpu.memory_space<hbm>> -> memref<1x125x80xi32, #tpu.memory_space<hbm>>
      %dma_start3A_145 = tpu.memref_squeeze %dma_start3A_144 : memref<1x125x80xi32, #tpu.memory_space<hbm>> -> memref<125x80xi32, #tpu.memory_space<hbm>>
      tpu.enqueue_dma source(%dma_start3A_145 : memref<125x80xi32, #tpu.memory_space<hbm>>) target(%arg7 : memref<125x80xi32, #tpu.memory_space<vmem>>) target_semaphore(%run_scoped3A : memref<!tpu.dma_semaphore, #tpu.memory_space<semaphore_mem>>)
      %dma_wait3A_146 = arith.constant 0 : i32
      %dma_wait3A_147 = arith.constant 0 : i32
      %dma_wait3A_148 = tpu.memref_slice %arg3[%add3A, %dma_wait3A_146, %dma_wait3A_147] : memref<32x125x80xi32, #tpu.memory_space<hbm>> -> memref<1x125x80xi32, #tpu.memory_space<hbm>>
      %dma_wait3A_149 = tpu.memref_squeeze %dma_wait3A_148 : memref<1x125x80xi32, #tpu.memory_space<hbm>> -> memref<125x80xi32, #tpu.memory_space<hbm>>
      %dma_wait3A_150 = arith.constant 0 : i32
      %dma_wait3A_151 = arith.constant 0 : i32
      %dma_wait3A_152 = tpu.memref_slice %arg3[%add3A, %dma_wait3A_150, %dma_wait3A_151] : memref<32x125x80xi32, #tpu.memory_space<hbm>> -> memref<1x125x80xi32, #tpu.memory_space<hbm>>
      %dma_wait3A_153 = tpu.memref_squeeze %dma_wait3A_152 : memref<1x125x80xi32, #tpu.memory_space<hbm>> -> memref<125x80xi32, #tpu.memory_space<hbm>>
      tpu.wait_dma2 semaphore(%run_scoped3A : memref<!tpu.dma_semaphore, #tpu.memory_space<semaphore_mem>>) src(%dma_wait3A_153 : memref<125x80xi32, #tpu.memory_space<hbm>>) dst(%arg7 : memref<125x80xi32, #tpu.memory_space<vmem>>)
      tpu.yield
    }) : () -> ()
    "tpu.region"() ({
      %run_scoped3A = tpu.sem_alloc : memref<!tpu.dma_semaphore, #tpu.memory_space<semaphore_mem>>
      %dma_start3A_138 = arith.constant 0 : i32
      %dma_start3A_139 = arith.constant 0 : i32
      %dma_start3A_140 = tpu.memref_slice %arg4[%add3A, %dma_start3A_138, %dma_start3A_139] : memref<32x125x80xi32, #tpu.memory_space<hbm>> -> memref<1x125x80xi32, #tpu.memory_space<hbm>>
      %dma_start3A_141 = tpu.memref_squeeze %dma_start3A_140 : memref<1x125x80xi32, #tpu.memory_space<hbm>> -> memref<125x80xi32, #tpu.memory_space<hbm>>
      %dma_start3A_142 = arith.constant 0 : i32
      %dma_start3A_143 = arith.constant 0 : i32
      %dma_start3A_144 = tpu.memref_slice %arg4[%add3A, %dma_start3A_142, %dma_start3A_143] : memref<32x125x80xi32, #tpu.memory_space<hbm>> -> memref<1x125x80xi32, #tpu.memory_space<hbm>>
      %dma_start3A_145 = tpu.memref_squeeze %dma_start3A_144 : memref<1x125x80xi32, #tpu.memory_space<hbm>> -> memref<125x80xi32, #tpu.memory_space<hbm>>
      tpu.enqueue_dma source(%dma_start3A_145 : memref<125x80xi32, #tpu.memory_space<hbm>>) target(%arg8 : memref<125x80xi32, #tpu.memory_space<vmem>>) target_semaphore(%run_scoped3A : memref<!tpu.dma_semaphore, #tpu.memory_space<semaphore_mem>>)
      %dma_wait3A_146 = arith.constant 0 : i32
      %dma_wait3A_147 = arith.constant 0 : i32
      %dma_wait3A_148 = tpu.memref_slice %arg4[%add3A, %dma_wait3A_146, %dma_wait3A_147] : memref<32x125x80xi32, #tpu.memory_space<hbm>> -> memref<1x125x80xi32, #tpu.memory_space<hbm>>
      %dma_wait3A_149 = tpu.memref_squeeze %dma_wait3A_148 : memref<1x125x80xi32, #tpu.memory_space<hbm>> -> memref<125x80xi32, #tpu.memory_space<hbm>>
      %dma_wait3A_150 = arith.constant 0 : i32
      %dma_wait3A_151 = arith.constant 0 : i32
      %dma_wait3A_152 = tpu.memref_slice %arg4[%add3A, %dma_wait3A_150, %dma_wait3A_151] : memref<32x125x80xi32, #tpu.memory_space<hbm>> -> memref<1x125x80xi32, #tpu.memory_space<hbm>>
      %dma_wait3A_153 = tpu.memref_squeeze %dma_wait3A_152 : memref<1x125x80xi32, #tpu.memory_space<hbm>> -> memref<125x80xi32, #tpu.memory_space<hbm>>
      tpu.wait_dma2 semaphore(%run_scoped3A : memref<!tpu.dma_semaphore, #tpu.memory_space<semaphore_mem>>) src(%dma_wait3A_153 : memref<125x80xi32, #tpu.memory_space<hbm>>) dst(%arg8 : memref<125x80xi32, #tpu.memory_space<vmem>>)
      tpu.yield
    }) : () -> ()
    %dma_start3A = arith.constant 0 : i32
    %dma_start3A_1 = arith.constant 0 : i32
    %dma_start3A_2 = arith.constant 0 : i32
    %dma_start3A_3 = arith.constant 0 : i32
    %dma_start3A_4 = tpu.memref_slice %arg9[%dma_start3A_1, %dma_start3A_2, %dma_start3A_3] : memref<3x80x128xf32, #tpu.memory_space<vmem>> -> memref<1x80x128xf32, #tpu.memory_space<vmem>>
    %dma_start3A_5 = tpu.memref_squeeze %dma_start3A_4 : memref<1x80x128xf32, #tpu.memory_space<vmem>> -> memref<80x128xf32, #tpu.memory_space<vmem>>
    %dma_start3A_6 = arith.constant 0 : i32
    %dma_start3A_7 = tpu.memref_slice %arg7[%dma_start3A, %dma_start3A_6] : memref<125x80xi32, #tpu.memory_space<vmem>> -> memref<1x80xi32, #tpu.memory_space<vmem>>
    %dma_start3A_8 = tpu.memref_squeeze %dma_start3A_7 : memref<1x80xi32, #tpu.memory_space<vmem>> -> memref<80xi32, #tpu.memory_space<vmem>>
    %dma_start3A_9 = arith.constant 0 : i32
    %dma_start3A_10 = arith.constant 0 : i32
    %dma_start3A_11 = tpu.memref_slice %arg2[%dma_start3A_9, %dma_start3A_10] : memref<10000x128xf32, #tpu.memory_space<hbm>> -> memref<10000x128xf32, #tpu.memory_space<hbm>>
    tpu.enqueue_indirect_dma source(%dma_start3A_11 : memref<10000x128xf32, #tpu.memory_space<hbm>>) target(%dma_start3A_5 : memref<80x128xf32, #tpu.memory_space<vmem>>) offsets(%dma_start3A_8 : memref<80xi32, #tpu.memory_space<vmem>>) semaphore(%arg11 : memref<!tpu.dma_semaphore, #tpu.memory_space<semaphore_mem>>)
    %dma_start3A_12 = arith.constant 1 : i32
    %dma_start3A_13 = arith.constant 1 : i32
    %dma_start3A_14 = arith.constant 0 : i32
    %dma_start3A_15 = arith.constant 0 : i32
    %dma_start3A_16 = tpu.memref_slice %arg9[%dma_start3A_13, %dma_start3A_14, %dma_start3A_15] : memref<3x80x128xf32, #tpu.memory_space<vmem>> -> memref<1x80x128xf32, #tpu.memory_space<vmem>>
    %dma_start3A_17 = tpu.memref_squeeze %dma_start3A_16 : memref<1x80x128xf32, #tpu.memory_space<vmem>> -> memref<80x128xf32, #tpu.memory_space<vmem>>
    %dma_start3A_18 = arith.constant 0 : i32
    %dma_start3A_19 = tpu.memref_slice %arg7[%dma_start3A_12, %dma_start3A_18] : memref<125x80xi32, #tpu.memory_space<vmem>> -> memref<1x80xi32, #tpu.memory_space<vmem>>
    %dma_start3A_20 = tpu.memref_squeeze %dma_start3A_19 : memref<1x80xi32, #tpu.memory_space<vmem>> -> memref<80xi32, #tpu.memory_space<vmem>>
    %dma_start3A_21 = arith.constant 0 : i32
    %dma_start3A_22 = arith.constant 0 : i32
    %dma_start3A_23 = tpu.memref_slice %arg2[%dma_start3A_21, %dma_start3A_22] : memref<10000x128xf32, #tpu.memory_space<hbm>> -> memref<10000x128xf32, #tpu.memory_space<hbm>>
    tpu.enqueue_indirect_dma source(%dma_start3A_23 : memref<10000x128xf32, #tpu.memory_space<hbm>>) target(%dma_start3A_17 : memref<80x128xf32, #tpu.memory_space<vmem>>) offsets(%dma_start3A_20 : memref<80xi32, #tpu.memory_space<vmem>>) semaphore(%arg12 : memref<!tpu.dma_semaphore, #tpu.memory_space<semaphore_mem>>)
    %mul3A_24 = arith.constant 624 : i32
    %mul3A_25 = arith.muli %arg1, %mul3A_24 : i32
    "tpu.region"() ({
      %run_scoped3A = tpu.sem_alloc : memref<!tpu.dma_semaphore, #tpu.memory_space<semaphore_mem>>
      %dma_start3A_138 = arith.constant 0 : i32
      %dma_start3A_139 = tpu.memref_slice %arg10[%mul3A_25, %dma_start3A_138] : memref<10000x128xf32, #tpu.memory_space<vmem_shared>> -> memref<624x128xf32, #tpu.memory_space<vmem_shared>>
      tpu.enqueue_dma source(%arg5 : memref<624x128xf32, #tpu.memory_space<hbm>>) target(%dma_start3A_139 : memref<624x128xf32, #tpu.memory_space<vmem_shared>>) target_semaphore(%run_scoped3A : memref<!tpu.dma_semaphore, #tpu.memory_space<semaphore_mem>>)
      %dma_wait3A_140 = arith.constant 0 : i32
      %dma_wait3A_141 = tpu.memref_slice %arg10[%mul3A_25, %dma_wait3A_140] : memref<10000x128xf32, #tpu.memory_space<vmem_shared>> -> memref<624x128xf32, #tpu.memory_space<vmem_shared>>
      tpu.wait_dma2 semaphore(%run_scoped3A : memref<!tpu.dma_semaphore, #tpu.memory_space<semaphore_mem>>) src(%arg5 : memref<624x128xf32, #tpu.memory_space<hbm>>) dst(%dma_wait3A_141 : memref<624x128xf32, #tpu.memory_space<vmem_shared>>)
      tpu.yield
    }) : () -> ()
    %eq3A = arith.constant 15 : i32
    %eq3A_26 = arith.cmpi eq, %arg1, %eq3A : i32
    %convert_element_type3A = arith.extui %eq3A_26 : i1 to i32
    %cond3A = arith.constant 0 : i32
    %cond3A_27 = arith.cmpi ne, %convert_element_type3A, %cond3A : i32
    scf.if %cond3A_27 {
      "tpu.region"() ({
        %run_scoped3A = tpu.sem_alloc : memref<!tpu.dma_semaphore, #tpu.memory_space<semaphore_mem>>
        %dma_start3A_138 = arith.constant 9984 : i32
        %dma_start3A_139 = arith.constant 0 : i32
        %dma_start3A_140 = tpu.memref_slice %arg10[%dma_start3A_138, %dma_start3A_139] : memref<10000x128xf32, #tpu.memory_space<vmem_shared>> -> memref<16x128xf32, #tpu.memory_space<vmem_shared>>
        %dma_start3A_141 = arith.constant 0 : i32
        %dma_start3A_142 = arith.constant 0 : i32
        %dma_start3A_143 = tpu.memref_slice %arg5[%dma_start3A_141, %dma_start3A_142] : memref<624x128xf32, #tpu.memory_space<hbm>> -> memref<16x128xf32, #tpu.memory_space<hbm>>
        tpu.enqueue_dma source(%dma_start3A_143 : memref<16x128xf32, #tpu.memory_space<hbm>>) target(%dma_start3A_140 : memref<16x128xf32, #tpu.memory_space<vmem_shared>>) target_semaphore(%run_scoped3A : memref<!tpu.dma_semaphore, #tpu.memory_space<semaphore_mem>>)
        %dma_wait3A_144 = arith.constant 9984 : i32
        %dma_wait3A_145 = arith.constant 0 : i32
        %dma_wait3A_146 = tpu.memref_slice %arg10[%dma_wait3A_144, %dma_wait3A_145] : memref<10000x128xf32, #tpu.memory_space<vmem_shared>> -> memref<16x128xf32, #tpu.memory_space<vmem_shared>>
        %dma_wait3A_147 = arith.constant 0 : i32
        %dma_wait3A_148 = arith.constant 0 : i32
        %dma_wait3A_149 = tpu.memref_slice %arg5[%dma_wait3A_147, %dma_wait3A_148] : memref<624x128xf32, #tpu.memory_space<hbm>> -> memref<16x128xf32, #tpu.memory_space<hbm>>
        tpu.wait_dma2 semaphore(%run_scoped3A : memref<!tpu.dma_semaphore, #tpu.memory_space<semaphore_mem>>) src(%dma_wait3A_149 : memref<16x128xf32, #tpu.memory_space<hbm>>) dst(%dma_wait3A_146 : memref<16x128xf32, #tpu.memory_space<vmem_shared>>)
        tpu.yield
      }) : () -> ()
    } else {
    }
    %barrier3A = arith.constant 0 : index
    tpu.barrier barrier_id(%barrier3A)
    %scan3A = arith.constant 0 : i32
    %scan3A_28 = arith.constant 41 : i32
    %scan3A_29 = arith.addi %scan3A, %scan3A_28 : i32
    %scan3A_30 = arith.constant 1 : i32
    scf.for %scan3A_138 = %scan3A to %scan3A_29 step %scan3A_30  : i32 {
      %mul3A_139 = arith.constant 3 : i32
      %mul3A_140 = arith.muli %scan3A_138, %mul3A_139 : i32
      %add3A_141 = arith.constant 0 : i32
      %add3A_142 = arith.addi %mul3A_140, %add3A_141 : i32
      %dma_wait3A_143 = arith.constant 0 : i32
      %dma_wait3A_144 = arith.constant 0 : i32
      %dma_wait3A_145 = arith.constant 0 : i32
      %dma_wait3A_146 = tpu.memref_slice %arg9[%dma_wait3A_143, %dma_wait3A_144, %dma_wait3A_145] : memref<3x80x128xf32, #tpu.memory_space<vmem>> -> memref<1x80x128xf32, #tpu.memory_space<vmem>>
      %dma_wait3A_147 = tpu.memref_squeeze %dma_wait3A_146 : memref<1x80x128xf32, #tpu.memory_space<vmem>> -> memref<80x128xf32, #tpu.memory_space<vmem>>
      %dma_wait3A_148 = arith.constant 0 : i32
      %dma_wait3A_149 = tpu.memref_slice %arg7[%add3A_142, %dma_wait3A_148] : memref<125x80xi32, #tpu.memory_space<vmem>> -> memref<1x80xi32, #tpu.memory_space<vmem>>
      %dma_wait3A_150 = tpu.memref_squeeze %dma_wait3A_149 : memref<1x80xi32, #tpu.memory_space<vmem>> -> memref<80xi32, #tpu.memory_space<vmem>>
      %dma_wait3A_151 = arith.constant 0 : i32
      %dma_wait3A_152 = arith.constant 0 : i32
      %dma_wait3A_153 = tpu.memref_slice %arg2[%dma_wait3A_151, %dma_wait3A_152] : memref<10000x128xf32, #tpu.memory_space<hbm>> -> memref<10000x128xf32, #tpu.memory_space<hbm>>
      tpu.wait_indirect_dma semaphore(%arg11 : memref<!tpu.dma_semaphore, #tpu.memory_space<semaphore_mem>>) src(%dma_wait3A_153 : memref<10000x128xf32, #tpu.memory_space<hbm>>) dst(%dma_wait3A_147 : memref<80x128xf32, #tpu.memory_space<vmem>>)
      %dma_start3A_154 = arith.constant 0 : i32
      %dma_start3A_155 = arith.constant 0 : i32
      %dma_start3A_156 = arith.constant 0 : i32
      %dma_start3A_157 = tpu.memref_slice %arg9[%dma_start3A_154, %dma_start3A_155, %dma_start3A_156] : memref<3x80x128xf32, #tpu.memory_space<vmem>> -> memref<1x80x128xf32, #tpu.memory_space<vmem>>
      %dma_start3A_158 = tpu.memref_squeeze %dma_start3A_157 : memref<1x80x128xf32, #tpu.memory_space<vmem>> -> memref<80x128xf32, #tpu.memory_space<vmem>>
      %dma_start3A_159 = arith.constant 0 : i32
      %dma_start3A_160 = tpu.memref_slice %arg8[%add3A_142, %dma_start3A_159] : memref<125x80xi32, #tpu.memory_space<vmem>> -> memref<1x80xi32, #tpu.memory_space<vmem>>
      %dma_start3A_161 = tpu.memref_squeeze %dma_start3A_160 : memref<1x80xi32, #tpu.memory_space<vmem>> -> memref<80xi32, #tpu.memory_space<vmem>>
      %dma_start3A_162 = arith.constant 0 : i32
      %dma_start3A_163 = arith.constant 0 : i32
      %dma_start3A_164 = tpu.memref_slice %arg10[%dma_start3A_162, %dma_start3A_163] : memref<10000x128xf32, #tpu.memory_space<vmem_shared>> -> memref<10000x128xf32, #tpu.memory_space<vmem_shared>>
      tpu.enqueue_indirect_dma source(%dma_start3A_158 : memref<80x128xf32, #tpu.memory_space<vmem>>) target(%dma_start3A_164 : memref<10000x128xf32, #tpu.memory_space<vmem_shared>>) offsets(%dma_start3A_161 : memref<80xi32, #tpu.memory_space<vmem>>) semaphore(%arg14 : memref<!tpu.dma_semaphore, #tpu.memory_space<semaphore_mem>>) {add = true}
      %add3A_165 = arith.constant 2 : i32
      %add3A_166 = arith.addi %add3A_142, %add3A_165 : i32
      %lt3A = arith.constant 125 : i32
      %lt3A_167 = arith.cmpi slt, %add3A_166, %lt3A : i32
      %add3A_168 = arith.constant 2 : i32
      %add3A_169 = arith.addi %add3A_142, %add3A_168 : i32
      %ge3A = arith.constant 3 : i32
      %ge3A_170 = arith.cmpi sge, %add3A_169, %ge3A : i32
      %and3A_171 = arith.andi %lt3A_167, %ge3A_170 : i1
      %convert_element_type3A_172 = arith.extui %and3A_171 : i1 to i32
      %cond3A_173 = arith.constant 0 : i32
      %cond3A_174 = arith.cmpi ne, %convert_element_type3A_172, %cond3A_173 : i32
      scf.if %cond3A_174 {
        %dma_wait3A_268 = arith.constant 2 : i32
        %dma_wait3A_269 = arith.constant 0 : i32
        %dma_wait3A_270 = arith.constant 0 : i32
        %dma_wait3A_271 = tpu.memref_slice %arg9[%dma_wait3A_268, %dma_wait3A_269, %dma_wait3A_270] : memref<3x80x128xf32, #tpu.memory_space<vmem>> -> memref<1x80x128xf32, #tpu.memory_space<vmem>>
        %dma_wait3A_272 = tpu.memref_squeeze %dma_wait3A_271 : memref<1x80x128xf32, #tpu.memory_space<vmem>> -> memref<80x128xf32, #tpu.memory_space<vmem>>
        %dma_wait3A_273 = arith.constant 0 : i32
        %dma_wait3A_274 = tpu.memref_slice %arg8[%add3A_142, %dma_wait3A_273] : memref<125x80xi32, #tpu.memory_space<vmem>> -> memref<1x80xi32, #tpu.memory_space<vmem>>
        %dma_wait3A_275 = tpu.memref_squeeze %dma_wait3A_274 : memref<1x80xi32, #tpu.memory_space<vmem>> -> memref<80xi32, #tpu.memory_space<vmem>>
        %dma_wait3A_276 = arith.constant 0 : i32
        %dma_wait3A_277 = arith.constant 0 : i32
        %dma_wait3A_278 = tpu.memref_slice %arg10[%dma_wait3A_276, %dma_wait3A_277] : memref<10000x128xf32, #tpu.memory_space<vmem_shared>> -> memref<10000x128xf32, #tpu.memory_space<vmem_shared>>
        tpu.wait_indirect_dma semaphore(%arg16 : memref<!tpu.dma_semaphore, #tpu.memory_space<semaphore_mem>>) src(%dma_wait3A_272 : memref<80x128xf32, #tpu.memory_space<vmem>>) dst(%dma_wait3A_278 : memref<10000x128xf32, #tpu.memory_space<vmem_shared>>)
      } else {
      }
      %add3A_175 = arith.constant 2 : i32
      %add3A_176 = arith.addi %add3A_142, %add3A_175 : i32
      %lt3A_177 = arith.constant 125 : i32
      %lt3A_178 = arith.cmpi slt, %add3A_176, %lt3A_177 : i32
      %convert_element_type3A_179 = arith.extui %lt3A_178 : i1 to i32
      %cond3A_180 = arith.constant 0 : i32
      %cond3A_181 = arith.cmpi ne, %convert_element_type3A_179, %cond3A_180 : i32
      scf.if %cond3A_181 {
        %add3A_268 = arith.constant 2 : i32
        %add3A_269 = arith.addi %add3A_142, %add3A_268 : i32
        %dma_start3A_270 = arith.constant 2 : i32
        %dma_start3A_271 = arith.constant 0 : i32
        %dma_start3A_272 = arith.constant 0 : i32
        %dma_start3A_273 = tpu.memref_slice %arg9[%dma_start3A_270, %dma_start3A_271, %dma_start3A_272] : memref<3x80x128xf32, #tpu.memory_space<vmem>> -> memref<1x80x128xf32, #tpu.memory_space<vmem>>
        %dma_start3A_274 = tpu.memref_squeeze %dma_start3A_273 : memref<1x80x128xf32, #tpu.memory_space<vmem>> -> memref<80x128xf32, #tpu.memory_space<vmem>>
        %dma_start3A_275 = arith.constant 0 : i32
        %dma_start3A_276 = tpu.memref_slice %arg7[%add3A_269, %dma_start3A_275] : memref<125x80xi32, #tpu.memory_space<vmem>> -> memref<1x80xi32, #tpu.memory_space<vmem>>
        %dma_start3A_277 = tpu.memref_squeeze %dma_start3A_276 : memref<1x80xi32, #tpu.memory_space<vmem>> -> memref<80xi32, #tpu.memory_space<vmem>>
        %dma_start3A_278 = arith.constant 0 : i32
        %dma_start3A_279 = arith.constant 0 : i32
        %dma_start3A_280 = tpu.memref_slice %arg2[%dma_start3A_278, %dma_start3A_279] : memref<10000x128xf32, #tpu.memory_space<hbm>> -> memref<10000x128xf32, #tpu.memory_space<hbm>>
        tpu.enqueue_indirect_dma source(%dma_start3A_280 : memref<10000x128xf32, #tpu.memory_space<hbm>>) target(%dma_start3A_274 : memref<80x128xf32, #tpu.memory_space<vmem>>) offsets(%dma_start3A_277 : memref<80xi32, #tpu.memory_space<vmem>>) semaphore(%arg13 : memref<!tpu.dma_semaphore, #tpu.memory_space<semaphore_mem>>)
      } else {
      }
      %add3A_182 = arith.constant 1 : i32
      %add3A_183 = arith.addi %mul3A_140, %add3A_182 : i32
      %dma_wait3A_184 = arith.constant 1 : i32
      %dma_wait3A_185 = arith.constant 0 : i32
      %dma_wait3A_186 = arith.constant 0 : i32
      %dma_wait3A_187 = tpu.memref_slice %arg9[%dma_wait3A_184, %dma_wait3A_185, %dma_wait3A_186] : memref<3x80x128xf32, #tpu.memory_space<vmem>> -> memref<1x80x128xf32, #tpu.memory_space<vmem>>
      %dma_wait3A_188 = tpu.memref_squeeze %dma_wait3A_187 : memref<1x80x128xf32, #tpu.memory_space<vmem>> -> memref<80x128xf32, #tpu.memory_space<vmem>>
      %dma_wait3A_189 = arith.constant 0 : i32
      %dma_wait3A_190 = tpu.memref_slice %arg7[%add3A_183, %dma_wait3A_189] : memref<125x80xi32, #tpu.memory_space<vmem>> -> memref<1x80xi32, #tpu.memory_space<vmem>>
      %dma_wait3A_191 = tpu.memref_squeeze %dma_wait3A_190 : memref<1x80xi32, #tpu.memory_space<vmem>> -> memref<80xi32, #tpu.memory_space<vmem>>
      %dma_wait3A_192 = arith.constant 0 : i32
      %dma_wait3A_193 = arith.constant 0 : i32
      %dma_wait3A_194 = tpu.memref_slice %arg2[%dma_wait3A_192, %dma_wait3A_193] : memref<10000x128xf32, #tpu.memory_space<hbm>> -> memref<10000x128xf32, #tpu.memory_space<hbm>>
      tpu.wait_indirect_dma semaphore(%arg12 : memref<!tpu.dma_semaphore, #tpu.memory_space<semaphore_mem>>) src(%dma_wait3A_194 : memref<10000x128xf32, #tpu.memory_space<hbm>>) dst(%dma_wait3A_188 : memref<80x128xf32, #tpu.memory_space<vmem>>)
      %dma_start3A_195 = arith.constant 1 : i32
      %dma_start3A_196 = arith.constant 0 : i32
      %dma_start3A_197 = arith.constant 0 : i32
      %dma_start3A_198 = tpu.memref_slice %arg9[%dma_start3A_195, %dma_start3A_196, %dma_start3A_197] : memref<3x80x128xf32, #tpu.memory_space<vmem>> -> memref<1x80x128xf32, #tpu.memory_space<vmem>>
      %dma_start3A_199 = tpu.memref_squeeze %dma_start3A_198 : memref<1x80x128xf32, #tpu.memory_space<vmem>> -> memref<80x128xf32, #tpu.memory_space<vmem>>
      %dma_start3A_200 = arith.constant 0 : i32
      %dma_start3A_201 = tpu.memref_slice %arg8[%add3A_183, %dma_start3A_200] : memref<125x80xi32, #tpu.memory_space<vmem>> -> memref<1x80xi32, #tpu.memory_space<vmem>>
      %dma_start3A_202 = tpu.memref_squeeze %dma_start3A_201 : memref<1x80xi32, #tpu.memory_space<vmem>> -> memref<80xi32, #tpu.memory_space<vmem>>
      %dma_start3A_203 = arith.constant 0 : i32
      %dma_start3A_204 = arith.constant 0 : i32
      %dma_start3A_205 = tpu.memref_slice %arg10[%dma_start3A_203, %dma_start3A_204] : memref<10000x128xf32, #tpu.memory_space<vmem_shared>> -> memref<10000x128xf32, #tpu.memory_space<vmem_shared>>
      tpu.enqueue_indirect_dma source(%dma_start3A_199 : memref<80x128xf32, #tpu.memory_space<vmem>>) target(%dma_start3A_205 : memref<10000x128xf32, #tpu.memory_space<vmem_shared>>) offsets(%dma_start3A_202 : memref<80xi32, #tpu.memory_space<vmem>>) semaphore(%arg15 : memref<!tpu.dma_semaphore, #tpu.memory_space<semaphore_mem>>) {add = true}
      %add3A_206 = arith.constant 2 : i32
      %add3A_207 = arith.addi %add3A_183, %add3A_206 : i32
      %lt3A_208 = arith.constant 125 : i32
      %lt3A_209 = arith.cmpi slt, %add3A_207, %lt3A_208 : i32
      %add3A_210 = arith.constant 2 : i32
      %add3A_211 = arith.addi %add3A_183, %add3A_210 : i32
      %ge3A_212 = arith.constant 3 : i32
      %ge3A_213 = arith.cmpi sge, %add3A_211, %ge3A_212 : i32
      %and3A_214 = arith.andi %lt3A_209, %ge3A_213 : i1
      %convert_element_type3A_215 = arith.extui %and3A_214 : i1 to i32
      %cond3A_216 = arith.constant 0 : i32
      %cond3A_217 = arith.cmpi ne, %convert_element_type3A_215, %cond3A_216 : i32
      scf.if %cond3A_217 {
        %dma_wait3A_268 = arith.constant 0 : i32
        %dma_wait3A_269 = arith.constant 0 : i32
        %dma_wait3A_270 = arith.constant 0 : i32
        %dma_wait3A_271 = tpu.memref_slice %arg9[%dma_wait3A_268, %dma_wait3A_269, %dma_wait3A_270] : memref<3x80x128xf32, #tpu.memory_space<vmem>> -> memref<1x80x128xf32, #tpu.memory_space<vmem>>
        %dma_wait3A_272 = tpu.memref_squeeze %dma_wait3A_271 : memref<1x80x128xf32, #tpu.memory_space<vmem>> -> memref<80x128xf32, #tpu.memory_space<vmem>>
        %dma_wait3A_273 = arith.constant 0 : i32
        %dma_wait3A_274 = tpu.memref_slice %arg8[%add3A_183, %dma_wait3A_273] : memref<125x80xi32, #tpu.memory_space<vmem>> -> memref<1x80xi32, #tpu.memory_space<vmem>>
        %dma_wait3A_275 = tpu.memref_squeeze %dma_wait3A_274 : memref<1x80xi32, #tpu.memory_space<vmem>> -> memref<80xi32, #tpu.memory_space<vmem>>
        %dma_wait3A_276 = arith.constant 0 : i32
        %dma_wait3A_277 = arith.constant 0 : i32
        %dma_wait3A_278 = tpu.memref_slice %arg10[%dma_wait3A_276, %dma_wait3A_277] : memref<10000x128xf32, #tpu.memory_space<vmem_shared>> -> memref<10000x128xf32, #tpu.memory_space<vmem_shared>>
        tpu.wait_indirect_dma semaphore(%arg14 : memref<!tpu.dma_semaphore, #tpu.memory_space<semaphore_mem>>) src(%dma_wait3A_272 : memref<80x128xf32, #tpu.memory_space<vmem>>) dst(%dma_wait3A_278 : memref<10000x128xf32, #tpu.memory_space<vmem_shared>>)
      } else {
      }
      %add3A_218 = arith.constant 2 : i32
      %add3A_219 = arith.addi %add3A_183, %add3A_218 : i32
      %lt3A_220 = arith.constant 125 : i32
      %lt3A_221 = arith.cmpi slt, %add3A_219, %lt3A_220 : i32
      %convert_element_type3A_222 = arith.extui %lt3A_221 : i1 to i32
      %cond3A_223 = arith.constant 0 : i32
      %cond3A_224 = arith.cmpi ne, %convert_element_type3A_222, %cond3A_223 : i32
      scf.if %cond3A_224 {
        %add3A_268 = arith.constant 2 : i32
        %add3A_269 = arith.addi %add3A_183, %add3A_268 : i32
        %dma_start3A_270 = arith.constant 0 : i32
        %dma_start3A_271 = arith.constant 0 : i32
        %dma_start3A_272 = arith.constant 0 : i32
        %dma_start3A_273 = tpu.memref_slice %arg9[%dma_start3A_270, %dma_start3A_271, %dma_start3A_272] : memref<3x80x128xf32, #tpu.memory_space<vmem>> -> memref<1x80x128xf32, #tpu.memory_space<vmem>>
        %dma_start3A_274 = tpu.memref_squeeze %dma_start3A_273 : memref<1x80x128xf32, #tpu.memory_space<vmem>> -> memref<80x128xf32, #tpu.memory_space<vmem>>
        %dma_start3A_275 = arith.constant 0 : i32
        %dma_start3A_276 = tpu.memref_slice %arg7[%add3A_269, %dma_start3A_275] : memref<125x80xi32, #tpu.memory_space<vmem>> -> memref<1x80xi32, #tpu.memory_space<vmem>>
        %dma_start3A_277 = tpu.memref_squeeze %dma_start3A_276 : memref<1x80xi32, #tpu.memory_space<vmem>> -> memref<80xi32, #tpu.memory_space<vmem>>
        %dma_start3A_278 = arith.constant 0 : i32
        %dma_start3A_279 = arith.constant 0 : i32
        %dma_start3A_280 = tpu.memref_slice %arg2[%dma_start3A_278, %dma_start3A_279] : memref<10000x128xf32, #tpu.memory_space<hbm>> -> memref<10000x128xf32, #tpu.memory_space<hbm>>
        tpu.enqueue_indirect_dma source(%dma_start3A_280 : memref<10000x128xf32, #tpu.memory_space<hbm>>) target(%dma_start3A_274 : memref<80x128xf32, #tpu.memory_space<vmem>>) offsets(%dma_start3A_277 : memref<80xi32, #tpu.memory_space<vmem>>) semaphore(%arg11 : memref<!tpu.dma_semaphore, #tpu.memory_space<semaphore_mem>>)
      } else {
      }
      %add3A_225 = arith.constant 2 : i32
      %add3A_226 = arith.addi %mul3A_140, %add3A_225 : i32
      %dma_wait3A_227 = arith.constant 2 : i32
      %dma_wait3A_228 = arith.constant 0 : i32
      %dma_wait3A_229 = arith.constant 0 : i32
      %dma_wait3A_230 = tpu.memref_slice %arg9[%dma_wait3A_227, %dma_wait3A_228, %dma_wait3A_229] : memref<3x80x128xf32, #tpu.memory_space<vmem>> -> memref<1x80x128xf32, #tpu.memory_space<vmem>>
      %dma_wait3A_231 = tpu.memref_squeeze %dma_wait3A_230 : memref<1x80x128xf32, #tpu.memory_space<vmem>> -> memref<80x128xf32, #tpu.memory_space<vmem>>
      %dma_wait3A_232 = arith.constant 0 : i32
      %dma_wait3A_233 = tpu.memref_slice %arg7[%add3A_226, %dma_wait3A_232] : memref<125x80xi32, #tpu.memory_space<vmem>> -> memref<1x80xi32, #tpu.memory_space<vmem>>
      %dma_wait3A_234 = tpu.memref_squeeze %dma_wait3A_233 : memref<1x80xi32, #tpu.memory_space<vmem>> -> memref<80xi32, #tpu.memory_space<vmem>>
      %dma_wait3A_235 = arith.constant 0 : i32
      %dma_wait3A_236 = arith.constant 0 : i32
      %dma_wait3A_237 = tpu.memref_slice %arg2[%dma_wait3A_235, %dma_wait3A_236] : memref<10000x128xf32, #tpu.memory_space<hbm>> -> memref<10000x128xf32, #tpu.memory_space<hbm>>
      tpu.wait_indirect_dma semaphore(%arg13 : memref<!tpu.dma_semaphore, #tpu.memory_space<semaphore_mem>>) src(%dma_wait3A_237 : memref<10000x128xf32, #tpu.memory_space<hbm>>) dst(%dma_wait3A_231 : memref<80x128xf32, #tpu.memory_space<vmem>>)
      %dma_start3A_238 = arith.constant 2 : i32
      %dma_start3A_239 = arith.constant 0 : i32
      %dma_start3A_240 = arith.constant 0 : i32
      %dma_start3A_241 = tpu.memref_slice %arg9[%dma_start3A_238, %dma_start3A_239, %dma_start3A_240] : memref<3x80x128xf32, #tpu.memory_space<vmem>> -> memref<1x80x128xf32, #tpu.memory_space<vmem>>
      %dma_start3A_242 = tpu.memref_squeeze %dma_start3A_241 : memref<1x80x128xf32, #tpu.memory_space<vmem>> -> memref<80x128xf32, #tpu.memory_space<vmem>>
      %dma_start3A_243 = arith.constant 0 : i32
      %dma_start3A_244 = tpu.memref_slice %arg8[%add3A_226, %dma_start3A_243] : memref<125x80xi32, #tpu.memory_space<vmem>> -> memref<1x80xi32, #tpu.memory_space<vmem>>
      %dma_start3A_245 = tpu.memref_squeeze %dma_start3A_244 : memref<1x80xi32, #tpu.memory_space<vmem>> -> memref<80xi32, #tpu.memory_space<vmem>>
      %dma_start3A_246 = arith.constant 0 : i32
      %dma_start3A_247 = arith.constant 0 : i32
      %dma_start3A_248 = tpu.memref_slice %arg10[%dma_start3A_246, %dma_start3A_247] : memref<10000x128xf32, #tpu.memory_space<vmem_shared>> -> memref<10000x128xf32, #tpu.memory_space<vmem_shared>>
      tpu.enqueue_indirect_dma source(%dma_start3A_242 : memref<80x128xf32, #tpu.memory_space<vmem>>) target(%dma_start3A_248 : memref<10000x128xf32, #tpu.memory_space<vmem_shared>>) offsets(%dma_start3A_245 : memref<80xi32, #tpu.memory_space<vmem>>) semaphore(%arg16 : memref<!tpu.dma_semaphore, #tpu.memory_space<semaphore_mem>>) {add = true}
      %add3A_249 = arith.constant 2 : i32
      %add3A_250 = arith.addi %add3A_226, %add3A_249 : i32
      %lt3A_251 = arith.constant 125 : i32
      %lt3A_252 = arith.cmpi slt, %add3A_250, %lt3A_251 : i32
      %add3A_253 = arith.constant 2 : i32
      %add3A_254 = arith.addi %add3A_226, %add3A_253 : i32
      %ge3A_255 = arith.constant 3 : i32
      %ge3A_256 = arith.cmpi sge, %add3A_254, %ge3A_255 : i32
      %and3A_257 = arith.andi %lt3A_252, %ge3A_256 : i1
      %convert_element_type3A_258 = arith.extui %and3A_257 : i1 to i32
      %cond3A_259 = arith.constant 0 : i32
      %cond3A_260 = arith.cmpi ne, %convert_element_type3A_258, %cond3A_259 : i32
      scf.if %cond3A_260 {
        %dma_wait3A_268 = arith.constant 1 : i32
        %dma_wait3A_269 = arith.constant 0 : i32
        %dma_wait3A_270 = arith.constant 0 : i32
        %dma_wait3A_271 = tpu.memref_slice %arg9[%dma_wait3A_268, %dma_wait3A_269, %dma_wait3A_270] : memref<3x80x128xf32, #tpu.memory_space<vmem>> -> memref<1x80x128xf32, #tpu.memory_space<vmem>>
        %dma_wait3A_272 = tpu.memref_squeeze %dma_wait3A_271 : memref<1x80x128xf32, #tpu.memory_space<vmem>> -> memref<80x128xf32, #tpu.memory_space<vmem>>
        %dma_wait3A_273 = arith.constant 0 : i32
        %dma_wait3A_274 = tpu.memref_slice %arg8[%add3A_226, %dma_wait3A_273] : memref<125x80xi32, #tpu.memory_space<vmem>> -> memref<1x80xi32, #tpu.memory_space<vmem>>
        %dma_wait3A_275 = tpu.memref_squeeze %dma_wait3A_274 : memref<1x80xi32, #tpu.memory_space<vmem>> -> memref<80xi32, #tpu.memory_space<vmem>>
        %dma_wait3A_276 = arith.constant 0 : i32
        %dma_wait3A_277 = arith.constant 0 : i32
        %dma_wait3A_278 = tpu.memref_slice %arg10[%dma_wait3A_276, %dma_wait3A_277] : memref<10000x128xf32, #tpu.memory_space<vmem_shared>> -> memref<10000x128xf32, #tpu.memory_space<vmem_shared>>
        tpu.wait_indirect_dma semaphore(%arg15 : memref<!tpu.dma_semaphore, #tpu.memory_space<semaphore_mem>>) src(%dma_wait3A_272 : memref<80x128xf32, #tpu.memory_space<vmem>>) dst(%dma_wait3A_278 : memref<10000x128xf32, #tpu.memory_space<vmem_shared>>)
      } else {
      }
      %add3A_261 = arith.constant 2 : i32
      %add3A_262 = arith.addi %add3A_226, %add3A_261 : i32
      %lt3A_263 = arith.constant 125 : i32
      %lt3A_264 = arith.cmpi slt, %add3A_262, %lt3A_263 : i32
      %convert_element_type3A_265 = arith.extui %lt3A_264 : i1 to i32
      %cond3A_266 = arith.constant 0 : i32
      %cond3A_267 = arith.cmpi ne, %convert_element_type3A_265, %cond3A_266 : i32
      scf.if %cond3A_267 {
        %add3A_268 = arith.constant 2 : i32
        %add3A_269 = arith.addi %add3A_226, %add3A_268 : i32
        %dma_start3A_270 = arith.constant 1 : i32
        %dma_start3A_271 = arith.constant 0 : i32
        %dma_start3A_272 = arith.constant 0 : i32
        %dma_start3A_273 = tpu.memref_slice %arg9[%dma_start3A_270, %dma_start3A_271, %dma_start3A_272] : memref<3x80x128xf32, #tpu.memory_space<vmem>> -> memref<1x80x128xf32, #tpu.memory_space<vmem>>
        %dma_start3A_274 = tpu.memref_squeeze %dma_start3A_273 : memref<1x80x128xf32, #tpu.memory_space<vmem>> -> memref<80x128xf32, #tpu.memory_space<vmem>>
        %dma_start3A_275 = arith.constant 0 : i32
        %dma_start3A_276 = tpu.memref_slice %arg7[%add3A_269, %dma_start3A_275] : memref<125x80xi32, #tpu.memory_space<vmem>> -> memref<1x80xi32, #tpu.memory_space<vmem>>
        %dma_start3A_277 = tpu.memref_squeeze %dma_start3A_276 : memref<1x80xi32, #tpu.memory_space<vmem>> -> memref<80xi32, #tpu.memory_space<vmem>>
        %dma_start3A_278 = arith.constant 0 : i32
        %dma_start3A_279 = arith.constant 0 : i32
        %dma_start3A_280 = tpu.memref_slice %arg2[%dma_start3A_278, %dma_start3A_279] : memref<10000x128xf32, #tpu.memory_space<hbm>> -> memref<10000x128xf32, #tpu.memory_space<hbm>>
        tpu.enqueue_indirect_dma source(%dma_start3A_280 : memref<10000x128xf32, #tpu.memory_space<hbm>>) target(%dma_start3A_274 : memref<80x128xf32, #tpu.memory_space<vmem>>) offsets(%dma_start3A_277 : memref<80xi32, #tpu.memory_space<vmem>>) semaphore(%arg12 : memref<!tpu.dma_semaphore, #tpu.memory_space<semaphore_mem>>)
      } else {
      }
    }
    %scan3A_31 = arith.constant 41 : i32
    %dma_wait3A = arith.constant 123 : i32
    %dma_wait3A_32 = arith.constant 0 : i32
    %dma_wait3A_33 = arith.constant 0 : i32
    %dma_wait3A_34 = arith.constant 0 : i32
    %dma_wait3A_35 = tpu.memref_slice %arg9[%dma_wait3A_32, %dma_wait3A_33, %dma_wait3A_34] : memref<3x80x128xf32, #tpu.memory_space<vmem>> -> memref<1x80x128xf32, #tpu.memory_space<vmem>>
    %dma_wait3A_36 = tpu.memref_squeeze %dma_wait3A_35 : memref<1x80x128xf32, #tpu.memory_space<vmem>> -> memref<80x128xf32, #tpu.memory_space<vmem>>
    %dma_wait3A_37 = arith.constant 0 : i32
    %dma_wait3A_38 = tpu.memref_slice %arg7[%dma_wait3A, %dma_wait3A_37] : memref<125x80xi32, #tpu.memory_space<vmem>> -> memref<1x80xi32, #tpu.memory_space<vmem>>
    %dma_wait3A_39 = tpu.memref_squeeze %dma_wait3A_38 : memref<1x80xi32, #tpu.memory_space<vmem>> -> memref<80xi32, #tpu.memory_space<vmem>>
    %dma_wait3A_40 = arith.constant 0 : i32
    %dma_wait3A_41 = arith.constant 0 : i32
    %dma_wait3A_42 = tpu.memref_slice %arg2[%dma_wait3A_40, %dma_wait3A_41] : memref<10000x128xf32, #tpu.memory_space<hbm>> -> memref<10000x128xf32, #tpu.memory_space<hbm>>
    tpu.wait_indirect_dma semaphore(%arg11 : memref<!tpu.dma_semaphore, #tpu.memory_space<semaphore_mem>>) src(%dma_wait3A_42 : memref<10000x128xf32, #tpu.memory_space<hbm>>) dst(%dma_wait3A_36 : memref<80x128xf32, #tpu.memory_space<vmem>>)
    %dma_start3A_43 = arith.constant 0 : i32
    %dma_start3A_44 = arith.constant 123 : i32
    %dma_start3A_45 = arith.constant 0 : i32
    %dma_start3A_46 = arith.constant 0 : i32
    %dma_start3A_47 = tpu.memref_slice %arg9[%dma_start3A_43, %dma_start3A_45, %dma_start3A_46] : memref<3x80x128xf32, #tpu.memory_space<vmem>> -> memref<1x80x128xf32, #tpu.memory_space<vmem>>
    %dma_start3A_48 = tpu.memref_squeeze %dma_start3A_47 : memref<1x80x128xf32, #tpu.memory_space<vmem>> -> memref<80x128xf32, #tpu.memory_space<vmem>>
    %dma_start3A_49 = arith.constant 0 : i32
    %dma_start3A_50 = tpu.memref_slice %arg8[%dma_start3A_44, %dma_start3A_49] : memref<125x80xi32, #tpu.memory_space<vmem>> -> memref<1x80xi32, #tpu.memory_space<vmem>>
    %dma_start3A_51 = tpu.memref_squeeze %dma_start3A_50 : memref<1x80xi32, #tpu.memory_space<vmem>> -> memref<80xi32, #tpu.memory_space<vmem>>
    %dma_start3A_52 = arith.constant 0 : i32
    %dma_start3A_53 = arith.constant 0 : i32
    %dma_start3A_54 = tpu.memref_slice %arg10[%dma_start3A_52, %dma_start3A_53] : memref<10000x128xf32, #tpu.memory_space<vmem_shared>> -> memref<10000x128xf32, #tpu.memory_space<vmem_shared>>
    tpu.enqueue_indirect_dma source(%dma_start3A_48 : memref<80x128xf32, #tpu.memory_space<vmem>>) target(%dma_start3A_54 : memref<10000x128xf32, #tpu.memory_space<vmem_shared>>) offsets(%dma_start3A_51 : memref<80xi32, #tpu.memory_space<vmem>>) semaphore(%arg14 : memref<!tpu.dma_semaphore, #tpu.memory_space<semaphore_mem>>) {add = true}
    %and3A = arith.constant false
    %and3A_55 = arith.constant true
    %and3A_56 = arith.andi %and3A, %and3A_55 : i1
    %convert_element_type3A_57 = arith.extui %and3A_56 : i1 to i32
    %cond3A_58 = arith.constant 0 : i32
    %cond3A_59 = arith.cmpi ne, %convert_element_type3A_57, %cond3A_58 : i32
    scf.if %cond3A_59 {
      %dma_wait3A_138 = arith.constant 2 : i32
      %dma_wait3A_139 = arith.constant 123 : i32
      %dma_wait3A_140 = arith.constant 0 : i32
      %dma_wait3A_141 = arith.constant 0 : i32
      %dma_wait3A_142 = tpu.memref_slice %arg9[%dma_wait3A_138, %dma_wait3A_140, %dma_wait3A_141] : memref<3x80x128xf32, #tpu.memory_space<vmem>> -> memref<1x80x128xf32, #tpu.memory_space<vmem>>
      %dma_wait3A_143 = tpu.memref_squeeze %dma_wait3A_142 : memref<1x80x128xf32, #tpu.memory_space<vmem>> -> memref<80x128xf32, #tpu.memory_space<vmem>>
      %dma_wait3A_144 = arith.constant 0 : i32
      %dma_wait3A_145 = tpu.memref_slice %arg8[%dma_wait3A_139, %dma_wait3A_144] : memref<125x80xi32, #tpu.memory_space<vmem>> -> memref<1x80xi32, #tpu.memory_space<vmem>>
      %dma_wait3A_146 = tpu.memref_squeeze %dma_wait3A_145 : memref<1x80xi32, #tpu.memory_space<vmem>> -> memref<80xi32, #tpu.memory_space<vmem>>
      %dma_wait3A_147 = arith.constant 0 : i32
      %dma_wait3A_148 = arith.constant 0 : i32
      %dma_wait3A_149 = tpu.memref_slice %arg10[%dma_wait3A_147, %dma_wait3A_148] : memref<10000x128xf32, #tpu.memory_space<vmem_shared>> -> memref<10000x128xf32, #tpu.memory_space<vmem_shared>>
      tpu.wait_indirect_dma semaphore(%arg16 : memref<!tpu.dma_semaphore, #tpu.memory_space<semaphore_mem>>) src(%dma_wait3A_143 : memref<80x128xf32, #tpu.memory_space<vmem>>) dst(%dma_wait3A_149 : memref<10000x128xf32, #tpu.memory_space<vmem_shared>>)
    } else {
    }
    %cond3A_60 = arith.constant 0 : i32
    %dma_wait3A_61 = arith.constant 124 : i32
    %dma_wait3A_62 = arith.constant 1 : i32
    %dma_wait3A_63 = arith.constant 0 : i32
    %dma_wait3A_64 = arith.constant 0 : i32
    %dma_wait3A_65 = tpu.memref_slice %arg9[%dma_wait3A_62, %dma_wait3A_63, %dma_wait3A_64] : memref<3x80x128xf32, #tpu.memory_space<vmem>> -> memref<1x80x128xf32, #tpu.memory_space<vmem>>
    %dma_wait3A_66 = tpu.memref_squeeze %dma_wait3A_65 : memref<1x80x128xf32, #tpu.memory_space<vmem>> -> memref<80x128xf32, #tpu.memory_space<vmem>>
    %dma_wait3A_67 = arith.constant 0 : i32
    %dma_wait3A_68 = tpu.memref_slice %arg7[%dma_wait3A_61, %dma_wait3A_67] : memref<125x80xi32, #tpu.memory_space<vmem>> -> memref<1x80xi32, #tpu.memory_space<vmem>>
    %dma_wait3A_69 = tpu.memref_squeeze %dma_wait3A_68 : memref<1x80xi32, #tpu.memory_space<vmem>> -> memref<80xi32, #tpu.memory_space<vmem>>
    %dma_wait3A_70 = arith.constant 0 : i32
    %dma_wait3A_71 = arith.constant 0 : i32
    %dma_wait3A_72 = tpu.memref_slice %arg2[%dma_wait3A_70, %dma_wait3A_71] : memref<10000x128xf32, #tpu.memory_space<hbm>> -> memref<10000x128xf32, #tpu.memory_space<hbm>>
    tpu.wait_indirect_dma semaphore(%arg12 : memref<!tpu.dma_semaphore, #tpu.memory_space<semaphore_mem>>) src(%dma_wait3A_72 : memref<10000x128xf32, #tpu.memory_space<hbm>>) dst(%dma_wait3A_66 : memref<80x128xf32, #tpu.memory_space<vmem>>)
    %dma_start3A_73 = arith.constant 1 : i32
    %dma_start3A_74 = arith.constant 124 : i32
    %dma_start3A_75 = arith.constant 0 : i32
    %dma_start3A_76 = arith.constant 0 : i32
    %dma_start3A_77 = tpu.memref_slice %arg9[%dma_start3A_73, %dma_start3A_75, %dma_start3A_76] : memref<3x80x128xf32, #tpu.memory_space<vmem>> -> memref<1x80x128xf32, #tpu.memory_space<vmem>>
    %dma_start3A_78 = tpu.memref_squeeze %dma_start3A_77 : memref<1x80x128xf32, #tpu.memory_space<vmem>> -> memref<80x128xf32, #tpu.memory_space<vmem>>
    %dma_start3A_79 = arith.constant 0 : i32
    %dma_start3A_80 = tpu.memref_slice %arg8[%dma_start3A_74, %dma_start3A_79] : memref<125x80xi32, #tpu.memory_space<vmem>> -> memref<1x80xi32, #tpu.memory_space<vmem>>
    %dma_start3A_81 = tpu.memref_squeeze %dma_start3A_80 : memref<1x80xi32, #tpu.memory_space<vmem>> -> memref<80xi32, #tpu.memory_space<vmem>>
    %dma_start3A_82 = arith.constant 0 : i32
    %dma_start3A_83 = arith.constant 0 : i32
    %dma_start3A_84 = tpu.memref_slice %arg10[%dma_start3A_82, %dma_start3A_83] : memref<10000x128xf32, #tpu.memory_space<vmem_shared>> -> memref<10000x128xf32, #tpu.memory_space<vmem_shared>>
    tpu.enqueue_indirect_dma source(%dma_start3A_78 : memref<80x128xf32, #tpu.memory_space<vmem>>) target(%dma_start3A_84 : memref<10000x128xf32, #tpu.memory_space<vmem_shared>>) offsets(%dma_start3A_81 : memref<80xi32, #tpu.memory_space<vmem>>) semaphore(%arg15 : memref<!tpu.dma_semaphore, #tpu.memory_space<semaphore_mem>>) {add = true}
    %and3A_85 = arith.constant false
    %and3A_86 = arith.constant true
    %and3A_87 = arith.andi %and3A_85, %and3A_86 : i1
    %convert_element_type3A_88 = arith.extui %and3A_87 : i1 to i32
    %cond3A_89 = arith.constant 0 : i32
    %cond3A_90 = arith.cmpi ne, %convert_element_type3A_88, %cond3A_89 : i32
    scf.if %cond3A_90 {
      %dma_wait3A_138 = arith.constant 0 : i32
      %dma_wait3A_139 = arith.constant 124 : i32
      %dma_wait3A_140 = arith.constant 0 : i32
      %dma_wait3A_141 = arith.constant 0 : i32
      %dma_wait3A_142 = tpu.memref_slice %arg9[%dma_wait3A_138, %dma_wait3A_140, %dma_wait3A_141] : memref<3x80x128xf32, #tpu.memory_space<vmem>> -> memref<1x80x128xf32, #tpu.memory_space<vmem>>
      %dma_wait3A_143 = tpu.memref_squeeze %dma_wait3A_142 : memref<1x80x128xf32, #tpu.memory_space<vmem>> -> memref<80x128xf32, #tpu.memory_space<vmem>>
      %dma_wait3A_144 = arith.constant 0 : i32
      %dma_wait3A_145 = tpu.memref_slice %arg8[%dma_wait3A_139, %dma_wait3A_144] : memref<125x80xi32, #tpu.memory_space<vmem>> -> memref<1x80xi32, #tpu.memory_space<vmem>>
      %dma_wait3A_146 = tpu.memref_squeeze %dma_wait3A_145 : memref<1x80xi32, #tpu.memory_space<vmem>> -> memref<80xi32, #tpu.memory_space<vmem>>
      %dma_wait3A_147 = arith.constant 0 : i32
      %dma_wait3A_148 = arith.constant 0 : i32
      %dma_wait3A_149 = tpu.memref_slice %arg10[%dma_wait3A_147, %dma_wait3A_148] : memref<10000x128xf32, #tpu.memory_space<vmem_shared>> -> memref<10000x128xf32, #tpu.memory_space<vmem_shared>>
      tpu.wait_indirect_dma semaphore(%arg14 : memref<!tpu.dma_semaphore, #tpu.memory_space<semaphore_mem>>) src(%dma_wait3A_143 : memref<80x128xf32, #tpu.memory_space<vmem>>) dst(%dma_wait3A_149 : memref<10000x128xf32, #tpu.memory_space<vmem_shared>>)
    } else {
    }
    %cond3A_91 = arith.constant 0 : i32
    %dma_wait3A_92 = arith.constant 2 : i32
    %dma_wait3A_93 = arith.constant 0 : i32
    %dma_wait3A_94 = arith.constant 0 : i32
    %dma_wait3A_95 = arith.constant 0 : i32
    %dma_wait3A_96 = tpu.memref_slice %arg9[%dma_wait3A_92, %dma_wait3A_94, %dma_wait3A_95] : memref<3x80x128xf32, #tpu.memory_space<vmem>> -> memref<1x80x128xf32, #tpu.memory_space<vmem>>
    %dma_wait3A_97 = tpu.memref_squeeze %dma_wait3A_96 : memref<1x80x128xf32, #tpu.memory_space<vmem>> -> memref<80x128xf32, #tpu.memory_space<vmem>>
    %dma_wait3A_98 = arith.constant 0 : i32
    %dma_wait3A_99 = tpu.memref_slice %arg8[%dma_wait3A_93, %dma_wait3A_98] : memref<125x80xi32, #tpu.memory_space<vmem>> -> memref<1x80xi32, #tpu.memory_space<vmem>>
    %dma_wait3A_100 = tpu.memref_squeeze %dma_wait3A_99 : memref<1x80xi32, #tpu.memory_space<vmem>> -> memref<80xi32, #tpu.memory_space<vmem>>
    %dma_wait3A_101 = arith.constant 0 : i32
    %dma_wait3A_102 = arith.constant 0 : i32
    %dma_wait3A_103 = tpu.memref_slice %arg10[%dma_wait3A_101, %dma_wait3A_102] : memref<10000x128xf32, #tpu.memory_space<vmem_shared>> -> memref<10000x128xf32, #tpu.memory_space<vmem_shared>>
    tpu.wait_indirect_dma semaphore(%arg16 : memref<!tpu.dma_semaphore, #tpu.memory_space<semaphore_mem>>) src(%dma_wait3A_97 : memref<80x128xf32, #tpu.memory_space<vmem>>) dst(%dma_wait3A_103 : memref<10000x128xf32, #tpu.memory_space<vmem_shared>>)
    %dma_wait3A_104 = arith.constant 0 : i32
    %dma_wait3A_105 = arith.constant 0 : i32
    %dma_wait3A_106 = arith.constant 0 : i32
    %dma_wait3A_107 = arith.constant 0 : i32
    %dma_wait3A_108 = tpu.memref_slice %arg9[%dma_wait3A_104, %dma_wait3A_106, %dma_wait3A_107] : memref<3x80x128xf32, #tpu.memory_space<vmem>> -> memref<1x80x128xf32, #tpu.memory_space<vmem>>
    %dma_wait3A_109 = tpu.memref_squeeze %dma_wait3A_108 : memref<1x80x128xf32, #tpu.memory_space<vmem>> -> memref<80x128xf32, #tpu.memory_space<vmem>>
    %dma_wait3A_110 = arith.constant 0 : i32
    %dma_wait3A_111 = tpu.memref_slice %arg8[%dma_wait3A_105, %dma_wait3A_110] : memref<125x80xi32, #tpu.memory_space<vmem>> -> memref<1x80xi32, #tpu.memory_space<vmem>>
    %dma_wait3A_112 = tpu.memref_squeeze %dma_wait3A_111 : memref<1x80xi32, #tpu.memory_space<vmem>> -> memref<80xi32, #tpu.memory_space<vmem>>
    %dma_wait3A_113 = arith.constant 0 : i32
    %dma_wait3A_114 = arith.constant 0 : i32
    %dma_wait3A_115 = tpu.memref_slice %arg10[%dma_wait3A_113, %dma_wait3A_114] : memref<10000x128xf32, #tpu.memory_space<vmem_shared>> -> memref<10000x128xf32, #tpu.memory_space<vmem_shared>>
    tpu.wait_indirect_dma semaphore(%arg14 : memref<!tpu.dma_semaphore, #tpu.memory_space<semaphore_mem>>) src(%dma_wait3A_109 : memref<80x128xf32, #tpu.memory_space<vmem>>) dst(%dma_wait3A_115 : memref<10000x128xf32, #tpu.memory_space<vmem_shared>>)
    %dma_wait3A_116 = arith.constant 1 : i32
    %dma_wait3A_117 = arith.constant 0 : i32
    %dma_wait3A_118 = arith.constant 0 : i32
    %dma_wait3A_119 = arith.constant 0 : i32
    %dma_wait3A_120 = tpu.memref_slice %arg9[%dma_wait3A_116, %dma_wait3A_118, %dma_wait3A_119] : memref<3x80x128xf32, #tpu.memory_space<vmem>> -> memref<1x80x128xf32, #tpu.memory_space<vmem>>
    %dma_wait3A_121 = tpu.memref_squeeze %dma_wait3A_120 : memref<1x80x128xf32, #tpu.memory_space<vmem>> -> memref<80x128xf32, #tpu.memory_space<vmem>>
    %dma_wait3A_122 = arith.constant 0 : i32
    %dma_wait3A_123 = tpu.memref_slice %arg8[%dma_wait3A_117, %dma_wait3A_122] : memref<125x80xi32, #tpu.memory_space<vmem>> -> memref<1x80xi32, #tpu.memory_space<vmem>>
    %dma_wait3A_124 = tpu.memref_squeeze %dma_wait3A_123 : memref<1x80xi32, #tpu.memory_space<vmem>> -> memref<80xi32, #tpu.memory_space<vmem>>
    %dma_wait3A_125 = arith.constant 0 : i32
    %dma_wait3A_126 = arith.constant 0 : i32
    %dma_wait3A_127 = tpu.memref_slice %arg10[%dma_wait3A_125, %dma_wait3A_126] : memref<10000x128xf32, #tpu.memory_space<vmem_shared>> -> memref<10000x128xf32, #tpu.memory_space<vmem_shared>>
    tpu.wait_indirect_dma semaphore(%arg15 : memref<!tpu.dma_semaphore, #tpu.memory_space<semaphore_mem>>) src(%dma_wait3A_121 : memref<80x128xf32, #tpu.memory_space<vmem>>) dst(%dma_wait3A_127 : memref<10000x128xf32, #tpu.memory_space<vmem_shared>>)
    %barrier3A_128 = arith.constant 0 : index
    tpu.barrier barrier_id(%barrier3A_128)
    %mul3A_129 = arith.constant 624 : i32
    %mul3A_130 = arith.muli %arg1, %mul3A_129 : i32
    %mul3A_131 = arith.constant 624 : i32
    %mul3A_132 = arith.muli %arg1, %mul3A_131 : i32
    "tpu.region"() ({
      %run_scoped3A = tpu.sem_alloc : memref<!tpu.dma_semaphore, #tpu.memory_space<semaphore_mem>>
      %dma_start3A_138 = arith.constant 0 : i32
      %dma_start3A_139 = tpu.memref_slice %arg6[%arg0, %mul3A_132, %dma_start3A_138] : memref<2x10000x128xf32, #tpu.memory_space<hbm>> -> memref<1x624x128xf32, #tpu.memory_space<hbm>>
      %dma_start3A_140 = tpu.memref_squeeze %dma_start3A_139 : memref<1x624x128xf32, #tpu.memory_space<hbm>> -> memref<624x128xf32, #tpu.memory_space<hbm>>
      %dma_start3A_141 = arith.constant 0 : i32
      %dma_start3A_142 = tpu.memref_slice %arg10[%mul3A_130, %dma_start3A_141] : memref<10000x128xf32, #tpu.memory_space<vmem_shared>> -> memref<624x128xf32, #tpu.memory_space<vmem_shared>>
      tpu.enqueue_dma source(%dma_start3A_142 : memref<624x128xf32, #tpu.memory_space<vmem_shared>>) target(%dma_start3A_140 : memref<624x128xf32, #tpu.memory_space<hbm>>) target_semaphore(%run_scoped3A : memref<!tpu.dma_semaphore, #tpu.memory_space<semaphore_mem>>)
      %dma_wait3A_143 = arith.constant 0 : i32
      %dma_wait3A_144 = tpu.memref_slice %arg6[%arg0, %mul3A_132, %dma_wait3A_143] : memref<2x10000x128xf32, #tpu.memory_space<hbm>> -> memref<1x624x128xf32, #tpu.memory_space<hbm>>
      %dma_wait3A_145 = tpu.memref_squeeze %dma_wait3A_144 : memref<1x624x128xf32, #tpu.memory_space<hbm>> -> memref<624x128xf32, #tpu.memory_space<hbm>>
      %dma_wait3A_146 = arith.constant 0 : i32
      %dma_wait3A_147 = tpu.memref_slice %arg10[%mul3A_130, %dma_wait3A_146] : memref<10000x128xf32, #tpu.memory_space<vmem_shared>> -> memref<624x128xf32, #tpu.memory_space<vmem_shared>>
      tpu.wait_dma2 semaphore(%run_scoped3A : memref<!tpu.dma_semaphore, #tpu.memory_space<semaphore_mem>>) src(%dma_wait3A_147 : memref<624x128xf32, #tpu.memory_space<vmem_shared>>) dst(%dma_wait3A_145 : memref<624x128xf32, #tpu.memory_space<hbm>>)
      tpu.yield
    }) : () -> ()
    %eq3A_133 = arith.constant 15 : i32
    %eq3A_134 = arith.cmpi eq, %arg1, %eq3A_133 : i32
    %convert_element_type3A_135 = arith.extui %eq3A_134 : i1 to i32
    %cond3A_136 = arith.constant 0 : i32
    %cond3A_137 = arith.cmpi ne, %convert_element_type3A_135, %cond3A_136 : i32
    scf.if %cond3A_137 {
      "tpu.region"() ({
        %run_scoped3A = tpu.sem_alloc : memref<!tpu.dma_semaphore, #tpu.memory_space<semaphore_mem>>
        %dma_start3A_138 = arith.constant 9984 : i32
        %dma_start3A_139 = arith.constant 0 : i32
        %dma_start3A_140 = tpu.memref_slice %arg6[%arg0, %dma_start3A_138, %dma_start3A_139] : memref<2x10000x128xf32, #tpu.memory_space<hbm>> -> memref<1x16x128xf32, #tpu.memory_space<hbm>>
        %dma_start3A_141 = tpu.memref_squeeze %dma_start3A_140 : memref<1x16x128xf32, #tpu.memory_space<hbm>> -> memref<16x128xf32, #tpu.memory_space<hbm>>
        %dma_start3A_142 = arith.constant 9984 : i32
        %dma_start3A_143 = arith.constant 0 : i32
        %dma_start3A_144 = tpu.memref_slice %arg10[%dma_start3A_142, %dma_start3A_143] : memref<10000x128xf32, #tpu.memory_space<vmem_shared>> -> memref<16x128xf32, #tpu.memory_space<vmem_shared>>
        tpu.enqueue_dma source(%dma_start3A_144 : memref<16x128xf32, #tpu.memory_space<vmem_shared>>) target(%dma_start3A_141 : memref<16x128xf32, #tpu.memory_space<hbm>>) target_semaphore(%run_scoped3A : memref<!tpu.dma_semaphore, #tpu.memory_space<semaphore_mem>>)
        %dma_wait3A_145 = arith.constant 9984 : i32
        %dma_wait3A_146 = arith.constant 0 : i32
        %dma_wait3A_147 = tpu.memref_slice %arg6[%arg0, %dma_wait3A_145, %dma_wait3A_146] : memref<2x10000x128xf32, #tpu.memory_space<hbm>> -> memref<1x16x128xf32, #tpu.memory_space<hbm>>
        %dma_wait3A_148 = tpu.memref_squeeze %dma_wait3A_147 : memref<1x16x128xf32, #tpu.memory_space<hbm>> -> memref<16x128xf32, #tpu.memory_space<hbm>>
        %dma_wait3A_149 = arith.constant 9984 : i32
        %dma_wait3A_150 = arith.constant 0 : i32
        %dma_wait3A_151 = tpu.memref_slice %arg10[%dma_wait3A_149, %dma_wait3A_150] : memref<10000x128xf32, #tpu.memory_space<vmem_shared>> -> memref<16x128xf32, #tpu.memory_space<vmem_shared>>
        tpu.wait_dma2 semaphore(%run_scoped3A : memref<!tpu.dma_semaphore, #tpu.memory_space<semaphore_mem>>) src(%dma_wait3A_151 : memref<16x128xf32, #tpu.memory_space<vmem_shared>>) dst(%dma_wait3A_148 : memref<16x128xf32, #tpu.memory_space<hbm>>)
        tpu.yield
      }) : () -> ()
    } else {
    }
    return
  }
}

#map = affine_map<(d0, d1) -> (0, 0)>
#map1 = affine_map<(d0, d1) -> (0, 0, 0)>
module attributes {stable_mosaic.version = 14 : i64} {
  func.func @seg_kernel(%arg0: i32, %arg1: i32, %arg2: memref<10000x128xf32, #tpu.memory_space<hbm>>, %arg3: memref<32x125x80xi32, #tpu.memory_space<hbm>>, %arg4: memref<32x125x80xi32, #tpu.memory_space<hbm>>, %arg5: memref<624x128xf32, #tpu.memory_space<hbm>>, %arg6: memref<2x10000x128xf32, #tpu.memory_space<hbm>>, %arg7: memref<125x80xi32, #tpu.memory_space<vmem>>, %arg8: memref<125x80xi32, #tpu.memory_space<vmem>>, %arg9: memref<3x80x128xf32, #tpu.memory_space<vmem>>, %arg10: memref<10000x128xf32, #tpu.memory_space<vmem_shared>>, %arg11: memref<!tpu.dma_semaphore, #tpu.memory_space<semaphore_mem>>, %arg12: memref<!tpu.dma_semaphore, #tpu.memory_space<semaphore_mem>>, %arg13: memref<!tpu.dma_semaphore, #tpu.memory_space<semaphore_mem>>, %arg14: memref<!tpu.dma_semaphore, #tpu.memory_space<semaphore_mem>>, %arg15: memref<!tpu.dma_semaphore, #tpu.memory_space<semaphore_mem>>, %arg16: memref<!tpu.dma_semaphore, #tpu.memory_space<semaphore_mem>>) attributes {dimension_semantics = [#tpu.dimension_semantics<core_parallel>, #tpu.dimension_semantics<subcore_parallel>], iteration_bounds = array<i64: 2, 16>, scalar_prefetch = 0 : i64, scratch_operands = 10 : i64, tpu.core_type = #tpu.core_type<sc_vector_subcore>, window_params = [{transform_indices = #map}, {transform_indices = #map1}, {transform_indices = #map1}, {transform_indices = #map}, {transform_indices = #map1}]} {
    %mul3A = arith.constant 16 : i32
    %mul3A_0 = arith.muli %arg0, %mul3A : i32
    %add3A = arith.addi %mul3A_0, %arg1 : i32
    "tpu.region"() ({
      %run_scoped3A = tpu.sem_alloc : memref<!tpu.dma_semaphore, #tpu.memory_space<semaphore_mem>>
      %dma_start3A_138 = arith.constant 0 : i32
      %dma_start3A_139 = arith.constant 0 : i32
      %dma_start3A_140 = tpu.memref_slice %arg3[%add3A, %dma_start3A_138, %dma_start3A_139] : memref<32x125x80xi32, #tpu.memory_space<hbm>> -> memref<1x125x80xi32, #tpu.memory_space<hbm>>
      %dma_start3A_141 = tpu.memref_squeeze %dma_start3A_140 : memref<1x125x80xi32, #tpu.memory_space<hbm>> -> memref<125x80xi32, #tpu.memory_space<hbm>>
      %dma_start3A_142 = arith.constant 0 : i32
      %dma_start3A_143 = arith.constant 0 : i32
      %dma_start3A_144 = tpu.memref_slice %arg3[%add3A, %dma_start3A_142, %dma_start3A_143] : memref<32x125x80xi32, #tpu.memory_space<hbm>> -> memref<1x125x80xi32, #tpu.memory_space<hbm>>
      %dma_start3A_145 = tpu.memref_squeeze %dma_start3A_144 : memref<1x125x80xi32, #tpu.memory_space<hbm>> -> memref<125x80xi32, #tpu.memory_space<hbm>>
      tpu.enqueue_dma source(%dma_start3A_145 : memref<125x80xi32, #tpu.memory_space<hbm>>) target(%arg7 : memref<125x80xi32, #tpu.memory_space<vmem>>) target_semaphore(%run_scoped3A : memref<!tpu.dma_semaphore, #tpu.memory_space<semaphore_mem>>)
      %dma_wait3A_146 = arith.constant 0 : i32
      %dma_wait3A_147 = arith.constant 0 : i32
      %dma_wait3A_148 = tpu.memref_slice %arg3[%add3A, %dma_wait3A_146, %dma_wait3A_147] : memref<32x125x80xi32, #tpu.memory_space<hbm>> -> memref<1x125x80xi32, #tpu.memory_space<hbm>>
      %dma_wait3A_149 = tpu.memref_squeeze %dma_wait3A_148 : memref<1x125x80xi32, #tpu.memory_space<hbm>> -> memref<125x80xi32, #tpu.memory_space<hbm>>
      %dma_wait3A_150 = arith.constant 0 : i32
      %dma_wait3A_151 = arith.constant 0 : i32
      %dma_wait3A_152 = tpu.memref_slice %arg3[%add3A, %dma_wait3A_150, %dma_wait3A_151] : memref<32x125x80xi32, #tpu.memory_space<hbm>> -> memref<1x125x80xi32, #tpu.memory_space<hbm>>
      %dma_wait3A_153 = tpu.memref_squeeze %dma_wait3A_152 : memref<1x125x80xi32, #tpu.memory_space<hbm>> -> memref<125x80xi32, #tpu.memory_space<hbm>>
      tpu.wait_dma2 semaphore(%run_scoped3A : memref<!tpu.dma_semaphore, #tpu.memory_space<semaphore_mem>>) src(%dma_wait3A_153 : memref<125x80xi32, #tpu.memory_space<hbm>>) dst(%arg7 : memref<125x80xi32, #tpu.memory_space<vmem>>)
      tpu.yield
    }) : () -> ()
    "tpu.region"() ({
      %run_scoped3A = tpu.sem_alloc : memref<!tpu.dma_semaphore, #tpu.memory_space<semaphore_mem>>
      %dma_start3A_138 = arith.constant 0 : i32
      %dma_start3A_139 = arith.constant 0 : i32
      %dma_start3A_140 = tpu.memref_slice %arg4[%add3A, %dma_start3A_138, %dma_start3A_139] : memref<32x125x80xi32, #tpu.memory_space<hbm>> -> memref<1x125x80xi32, #tpu.memory_space<hbm>>
      %dma_start3A_141 = tpu.memref_squeeze %dma_start3A_140 : memref<1x125x80xi32, #tpu.memory_space<hbm>> -> memref<125x80xi32, #tpu.memory_space<hbm>>
      %dma_start3A_142 = arith.constant 0 : i32
      %dma_start3A_143 = arith.constant 0 : i32
      %dma_start3A_144 = tpu.memref_slice %arg4[%add3A, %dma_start3A_142, %dma_start3A_143] : memref<32x125x80xi32, #tpu.memory_space<hbm>> -> memref<1x125x80xi32, #tpu.memory_space<hbm>>
      %dma_start3A_145 = tpu.memref_squeeze %dma_start3A_144 : memref<1x125x80xi32, #tpu.memory_space<hbm>> -> memref<125x80xi32, #tpu.memory_space<hbm>>
      tpu.enqueue_dma source(%dma_start3A_145 : memref<125x80xi32, #tpu.memory_space<hbm>>) target(%arg8 : memref<125x80xi32, #tpu.memory_space<vmem>>) target_semaphore(%run_scoped3A : memref<!tpu.dma_semaphore, #tpu.memory_space<semaphore_mem>>)
      %dma_wait3A_146 = arith.constant 0 : i32
      %dma_wait3A_147 = arith.constant 0 : i32
      %dma_wait3A_148 = tpu.memref_slice %arg4[%add3A, %dma_wait3A_146, %dma_wait3A_147] : memref<32x125x80xi32, #tpu.memory_space<hbm>> -> memref<1x125x80xi32, #tpu.memory_space<hbm>>
      %dma_wait3A_149 = tpu.memref_squeeze %dma_wait3A_148 : memref<1x125x80xi32, #tpu.memory_space<hbm>> -> memref<125x80xi32, #tpu.memory_space<hbm>>
      %dma_wait3A_150 = arith.constant 0 : i32
      %dma_wait3A_151 = arith.constant 0 : i32
      %dma_wait3A_152 = tpu.memref_slice %arg4[%add3A, %dma_wait3A_150, %dma_wait3A_151] : memref<32x125x80xi32, #tpu.memory_space<hbm>> -> memref<1x125x80xi32, #tpu.memory_space<hbm>>
      %dma_wait3A_153 = tpu.memref_squeeze %dma_wait3A_152 : memref<1x125x80xi32, #tpu.memory_space<hbm>> -> memref<125x80xi32, #tpu.memory_space<hbm>>
      tpu.wait_dma2 semaphore(%run_scoped3A : memref<!tpu.dma_semaphore, #tpu.memory_space<semaphore_mem>>) src(%dma_wait3A_153 : memref<125x80xi32, #tpu.memory_space<hbm>>) dst(%arg8 : memref<125x80xi32, #tpu.memory_space<vmem>>)
      tpu.yield
    }) : () -> ()
    %dma_start3A = arith.constant 0 : i32
    %dma_start3A_1 = arith.constant 0 : i32
    %dma_start3A_2 = arith.constant 0 : i32
    %dma_start3A_3 = arith.constant 0 : i32
    %dma_start3A_4 = tpu.memref_slice %arg9[%dma_start3A_1, %dma_start3A_2, %dma_start3A_3] : memref<3x80x128xf32, #tpu.memory_space<vmem>> -> memref<1x80x128xf32, #tpu.memory_space<vmem>>
    %dma_start3A_5 = tpu.memref_squeeze %dma_start3A_4 : memref<1x80x128xf32, #tpu.memory_space<vmem>> -> memref<80x128xf32, #tpu.memory_space<vmem>>
    %dma_start3A_6 = arith.constant 0 : i32
    %dma_start3A_7 = tpu.memref_slice %arg7[%dma_start3A, %dma_start3A_6] : memref<125x80xi32, #tpu.memory_space<vmem>> -> memref<1x80xi32, #tpu.memory_space<vmem>>
    %dma_start3A_8 = tpu.memref_squeeze %dma_start3A_7 : memref<1x80xi32, #tpu.memory_space<vmem>> -> memref<80xi32, #tpu.memory_space<vmem>>
    %dma_start3A_9 = arith.constant 0 : i32
    %dma_start3A_10 = arith.constant 0 : i32
    %dma_start3A_11 = tpu.memref_slice %arg2[%dma_start3A_9, %dma_start3A_10] : memref<10000x128xf32, #tpu.memory_space<hbm>> -> memref<10000x128xf32, #tpu.memory_space<hbm>>
    tpu.enqueue_indirect_dma source(%dma_start3A_11 : memref<10000x128xf32, #tpu.memory_space<hbm>>) target(%dma_start3A_5 : memref<80x128xf32, #tpu.memory_space<vmem>>) offsets(%dma_start3A_8 : memref<80xi32, #tpu.memory_space<vmem>>) semaphore(%arg11 : memref<!tpu.dma_semaphore, #tpu.memory_space<semaphore_mem>>)
    %dma_start3A_12 = arith.constant 1 : i32
    %dma_start3A_13 = arith.constant 1 : i32
    %dma_start3A_14 = arith.constant 0 : i32
    %dma_start3A_15 = arith.constant 0 : i32
    %dma_start3A_16 = tpu.memref_slice %arg9[%dma_start3A_13, %dma_start3A_14, %dma_start3A_15] : memref<3x80x128xf32, #tpu.memory_space<vmem>> -> memref<1x80x128xf32, #tpu.memory_space<vmem>>
    %dma_start3A_17 = tpu.memref_squeeze %dma_start3A_16 : memref<1x80x128xf32, #tpu.memory_space<vmem>> -> memref<80x128xf32, #tpu.memory_space<vmem>>
    %dma_start3A_18 = arith.constant 0 : i32
    %dma_start3A_19 = tpu.memref_slice %arg7[%dma_start3A_12, %dma_start3A_18] : memref<125x80xi32, #tpu.memory_space<vmem>> -> memref<1x80xi32, #tpu.memory_space<vmem>>
    %dma_start3A_20 = tpu.memref_squeeze %dma_start3A_19 : memref<1x80xi32, #tpu.memory_space<vmem>> -> memref<80xi32, #tpu.memory_space<vmem>>
    %dma_start3A_21 = arith.constant 0 : i32
    %dma_start3A_22 = arith.constant 0 : i32
    %dma_start3A_23 = tpu.memref_slice %arg2[%dma_start3A_21, %dma_start3A_22] : memref<10000x128xf32, #tpu.memory_space<hbm>> -> memref<10000x128xf32, #tpu.memory_space<hbm>>
    tpu.enqueue_indirect_dma source(%dma_start3A_23 : memref<10000x128xf32, #tpu.memory_space<hbm>>) target(%dma_start3A_17 : memref<80x128xf32, #tpu.memory_space<vmem>>) offsets(%dma_start3A_20 : memref<80xi32, #tpu.memory_space<vmem>>) semaphore(%arg12 : memref<!tpu.dma_semaphore, #tpu.memory_space<semaphore_mem>>)
    %mul3A_24 = arith.constant 624 : i32
    %mul3A_25 = arith.muli %arg1, %mul3A_24 : i32
    "tpu.region"() ({
      %run_scoped3A = tpu.sem_alloc : memref<!tpu.dma_semaphore, #tpu.memory_space<semaphore_mem>>
      %dma_start3A_138 = arith.constant 0 : i32
      %dma_start3A_139 = tpu.memref_slice %arg10[%mul3A_25, %dma_start3A_138] : memref<10000x128xf32, #tpu.memory_space<vmem_shared>> -> memref<624x128xf32, #tpu.memory_space<vmem_shared>>
      tpu.enqueue_dma source(%arg5 : memref<624x128xf32, #tpu.memory_space<hbm>>) target(%dma_start3A_139 : memref<624x128xf32, #tpu.memory_space<vmem_shared>>) target_semaphore(%run_scoped3A : memref<!tpu.dma_semaphore, #tpu.memory_space<semaphore_mem>>)
      %dma_wait3A_140 = arith.constant 0 : i32
      %dma_wait3A_141 = tpu.memref_slice %arg10[%mul3A_25, %dma_wait3A_140] : memref<10000x128xf32, #tpu.memory_space<vmem_shared>> -> memref<624x128xf32, #tpu.memory_space<vmem_shared>>
      tpu.wait_dma2 semaphore(%run_scoped3A : memref<!tpu.dma_semaphore, #tpu.memory_space<semaphore_mem>>) src(%arg5 : memref<624x128xf32, #tpu.memory_space<hbm>>) dst(%dma_wait3A_141 : memref<624x128xf32, #tpu.memory_space<vmem_shared>>)
      tpu.yield
    }) : () -> ()
    %eq3A = arith.constant 15 : i32
    %eq3A_26 = arith.cmpi eq, %arg1, %eq3A : i32
    %convert_element_type3A = arith.extui %eq3A_26 : i1 to i32
    %cond3A = arith.constant 0 : i32
    %cond3A_27 = arith.cmpi ne, %convert_element_type3A, %cond3A : i32
    scf.if %cond3A_27 {
      "tpu.region"() ({
        %run_scoped3A = tpu.sem_alloc : memref<!tpu.dma_semaphore, #tpu.memory_space<semaphore_mem>>
        %dma_start3A_138 = arith.constant 9984 : i32
        %dma_start3A_139 = arith.constant 0 : i32
        %dma_start3A_140 = tpu.memref_slice %arg10[%dma_start3A_138, %dma_start3A_139] : memref<10000x128xf32, #tpu.memory_space<vmem_shared>> -> memref<16x128xf32, #tpu.memory_space<vmem_shared>>
        %dma_start3A_141 = arith.constant 0 : i32
        %dma_start3A_142 = arith.constant 0 : i32
        %dma_start3A_143 = tpu.memref_slice %arg5[%dma_start3A_141, %dma_start3A_142] : memref<624x128xf32, #tpu.memory_space<hbm>> -> memref<16x128xf32, #tpu.memory_space<hbm>>
        tpu.enqueue_dma source(%dma_start3A_143 : memref<16x128xf32, #tpu.memory_space<hbm>>) target(%dma_start3A_140 : memref<16x128xf32, #tpu.memory_space<vmem_shared>>) target_semaphore(%run_scoped3A : memref<!tpu.dma_semaphore, #tpu.memory_space<semaphore_mem>>)
        %dma_wait3A_144 = arith.constant 9984 : i32
        %dma_wait3A_145 = arith.constant 0 : i32
        %dma_wait3A_146 = tpu.memref_slice %arg10[%dma_wait3A_144, %dma_wait3A_145] : memref<10000x128xf32, #tpu.memory_space<vmem_shared>> -> memref<16x128xf32, #tpu.memory_space<vmem_shared>>
        %dma_wait3A_147 = arith.constant 0 : i32
        %dma_wait3A_148 = arith.constant 0 : i32
        %dma_wait3A_149 = tpu.memref_slice %arg5[%dma_wait3A_147, %dma_wait3A_148] : memref<624x128xf32, #tpu.memory_space<hbm>> -> memref<16x128xf32, #tpu.memory_space<hbm>>
        tpu.wait_dma2 semaphore(%run_scoped3A : memref<!tpu.dma_semaphore, #tpu.memory_space<semaphore_mem>>) src(%dma_wait3A_149 : memref<16x128xf32, #tpu.memory_space<hbm>>) dst(%dma_wait3A_146 : memref<16x128xf32, #tpu.memory_space<vmem_shared>>)
        tpu.yield
      }) : () -> ()
    } else {
    }
    %barrier3A = arith.constant 0 : index
    tpu.barrier barrier_id(%barrier3A)
    %scan3A = arith.constant 0 : i32
    %scan3A_28 = arith.constant 41 : i32
    %scan3A_29 = arith.addi %scan3A, %scan3A_28 : i32
    %scan3A_30 = arith.constant 1 : i32
    scf.for %scan3A_138 = %scan3A to %scan3A_29 step %scan3A_30  : i32 {
      %mul3A_139 = arith.constant 3 : i32
      %mul3A_140 = arith.muli %scan3A_138, %mul3A_139 : i32
      %add3A_141 = arith.constant 0 : i32
      %add3A_142 = arith.addi %mul3A_140, %add3A_141 : i32
      %dma_wait3A_143 = arith.constant 0 : i32
      %dma_wait3A_144 = arith.constant 0 : i32
      %dma_wait3A_145 = arith.constant 0 : i32
      %dma_wait3A_146 = tpu.memref_slice %arg9[%dma_wait3A_143, %dma_wait3A_144, %dma_wait3A_145] : memref<3x80x128xf32, #tpu.memory_space<vmem>> -> memref<1x80x128xf32, #tpu.memory_space<vmem>>
      %dma_wait3A_147 = tpu.memref_squeeze %dma_wait3A_146 : memref<1x80x128xf32, #tpu.memory_space<vmem>> -> memref<80x128xf32, #tpu.memory_space<vmem>>
      %dma_wait3A_148 = arith.constant 0 : i32
      %dma_wait3A_149 = tpu.memref_slice %arg7[%add3A_142, %dma_wait3A_148] : memref<125x80xi32, #tpu.memory_space<vmem>> -> memref<1x80xi32, #tpu.memory_space<vmem>>
      %dma_wait3A_150 = tpu.memref_squeeze %dma_wait3A_149 : memref<1x80xi32, #tpu.memory_space<vmem>> -> memref<80xi32, #tpu.memory_space<vmem>>
      %dma_wait3A_151 = arith.constant 0 : i32
      %dma_wait3A_152 = arith.constant 0 : i32
      %dma_wait3A_153 = tpu.memref_slice %arg2[%dma_wait3A_151, %dma_wait3A_152] : memref<10000x128xf32, #tpu.memory_space<hbm>> -> memref<10000x128xf32, #tpu.memory_space<hbm>>
      tpu.wait_indirect_dma semaphore(%arg11 : memref<!tpu.dma_semaphore, #tpu.memory_space<semaphore_mem>>) src(%dma_wait3A_153 : memref<10000x128xf32, #tpu.memory_space<hbm>>) dst(%dma_wait3A_147 : memref<80x128xf32, #tpu.memory_space<vmem>>)
      %dma_start3A_154 = arith.constant 0 : i32
      %dma_start3A_155 = arith.constant 0 : i32
      %dma_start3A_156 = arith.constant 0 : i32
      %dma_start3A_157 = tpu.memref_slice %arg9[%dma_start3A_154, %dma_start3A_155, %dma_start3A_156] : memref<3x80x128xf32, #tpu.memory_space<vmem>> -> memref<1x80x128xf32, #tpu.memory_space<vmem>>
      %dma_start3A_158 = tpu.memref_squeeze %dma_start3A_157 : memref<1x80x128xf32, #tpu.memory_space<vmem>> -> memref<80x128xf32, #tpu.memory_space<vmem>>
      %dma_start3A_159 = arith.constant 0 : i32
      %dma_start3A_160 = tpu.memref_slice %arg8[%add3A_142, %dma_start3A_159] : memref<125x80xi32, #tpu.memory_space<vmem>> -> memref<1x80xi32, #tpu.memory_space<vmem>>
      %dma_start3A_161 = tpu.memref_squeeze %dma_start3A_160 : memref<1x80xi32, #tpu.memory_space<vmem>> -> memref<80xi32, #tpu.memory_space<vmem>>
      %dma_start3A_162 = arith.constant 0 : i32
      %dma_start3A_163 = arith.constant 0 : i32
      %dma_start3A_164 = tpu.memref_slice %arg10[%dma_start3A_162, %dma_start3A_163] : memref<10000x128xf32, #tpu.memory_space<vmem_shared>> -> memref<10000x128xf32, #tpu.memory_space<vmem_shared>>
      tpu.enqueue_indirect_dma source(%dma_start3A_158 : memref<80x128xf32, #tpu.memory_space<vmem>>) target(%dma_start3A_164 : memref<10000x128xf32, #tpu.memory_space<vmem_shared>>) offsets(%dma_start3A_161 : memref<80xi32, #tpu.memory_space<vmem>>) semaphore(%arg14 : memref<!tpu.dma_semaphore, #tpu.memory_space<semaphore_mem>>) {add = true}
      %add3A_165 = arith.constant 2 : i32
      %add3A_166 = arith.addi %add3A_142, %add3A_165 : i32
      %lt3A = arith.constant 125 : i32
      %lt3A_167 = arith.cmpi slt, %add3A_166, %lt3A : i32
      %add3A_168 = arith.constant 2 : i32
      %add3A_169 = arith.addi %add3A_142, %add3A_168 : i32
      %ge3A = arith.constant 3 : i32
      %ge3A_170 = arith.cmpi sge, %add3A_169, %ge3A : i32
      %and3A_171 = arith.andi %lt3A_167, %ge3A_170 : i1
      %convert_element_type3A_172 = arith.extui %and3A_171 : i1 to i32
      %cond3A_173 = arith.constant 0 : i32
      %cond3A_174 = arith.cmpi ne, %convert_element_type3A_172, %cond3A_173 : i32
      scf.if %cond3A_174 {
        %dma_wait3A_268 = arith.constant 2 : i32
        %dma_wait3A_269 = arith.constant 0 : i32
        %dma_wait3A_270 = arith.constant 0 : i32
        %dma_wait3A_271 = tpu.memref_slice %arg9[%dma_wait3A_268, %dma_wait3A_269, %dma_wait3A_270] : memref<3x80x128xf32, #tpu.memory_space<vmem>> -> memref<1x80x128xf32, #tpu.memory_space<vmem>>
        %dma_wait3A_272 = tpu.memref_squeeze %dma_wait3A_271 : memref<1x80x128xf32, #tpu.memory_space<vmem>> -> memref<80x128xf32, #tpu.memory_space<vmem>>
        %dma_wait3A_273 = arith.constant 0 : i32
        %dma_wait3A_274 = tpu.memref_slice %arg8[%add3A_142, %dma_wait3A_273] : memref<125x80xi32, #tpu.memory_space<vmem>> -> memref<1x80xi32, #tpu.memory_space<vmem>>
        %dma_wait3A_275 = tpu.memref_squeeze %dma_wait3A_274 : memref<1x80xi32, #tpu.memory_space<vmem>> -> memref<80xi32, #tpu.memory_space<vmem>>
        %dma_wait3A_276 = arith.constant 0 : i32
        %dma_wait3A_277 = arith.constant 0 : i32
        %dma_wait3A_278 = tpu.memref_slice %arg10[%dma_wait3A_276, %dma_wait3A_277] : memref<10000x128xf32, #tpu.memory_space<vmem_shared>> -> memref<10000x128xf32, #tpu.memory_space<vmem_shared>>
        tpu.wait_indirect_dma semaphore(%arg16 : memref<!tpu.dma_semaphore, #tpu.memory_space<semaphore_mem>>) src(%dma_wait3A_272 : memref<80x128xf32, #tpu.memory_space<vmem>>) dst(%dma_wait3A_278 : memref<10000x128xf32, #tpu.memory_space<vmem_shared>>)
      } else {
      }
      %add3A_175 = arith.constant 2 : i32
      %add3A_176 = arith.addi %add3A_142, %add3A_175 : i32
      %lt3A_177 = arith.constant 125 : i32
      %lt3A_178 = arith.cmpi slt, %add3A_176, %lt3A_177 : i32
      %convert_element_type3A_179 = arith.extui %lt3A_178 : i1 to i32
      %cond3A_180 = arith.constant 0 : i32
      %cond3A_181 = arith.cmpi ne, %convert_element_type3A_179, %cond3A_180 : i32
      scf.if %cond3A_181 {
        %add3A_268 = arith.constant 2 : i32
        %add3A_269 = arith.addi %add3A_142, %add3A_268 : i32
        %dma_start3A_270 = arith.constant 2 : i32
        %dma_start3A_271 = arith.constant 0 : i32
        %dma_start3A_272 = arith.constant 0 : i32
        %dma_start3A_273 = tpu.memref_slice %arg9[%dma_start3A_270, %dma_start3A_271, %dma_start3A_272] : memref<3x80x128xf32, #tpu.memory_space<vmem>> -> memref<1x80x128xf32, #tpu.memory_space<vmem>>
        %dma_start3A_274 = tpu.memref_squeeze %dma_start3A_273 : memref<1x80x128xf32, #tpu.memory_space<vmem>> -> memref<80x128xf32, #tpu.memory_space<vmem>>
        %dma_start3A_275 = arith.constant 0 : i32
        %dma_start3A_276 = tpu.memref_slice %arg7[%add3A_269, %dma_start3A_275] : memref<125x80xi32, #tpu.memory_space<vmem>> -> memref<1x80xi32, #tpu.memory_space<vmem>>
        %dma_start3A_277 = tpu.memref_squeeze %dma_start3A_276 : memref<1x80xi32, #tpu.memory_space<vmem>> -> memref<80xi32, #tpu.memory_space<vmem>>
        %dma_start3A_278 = arith.constant 0 : i32
        %dma_start3A_279 = arith.constant 0 : i32
        %dma_start3A_280 = tpu.memref_slice %arg2[%dma_start3A_278, %dma_start3A_279] : memref<10000x128xf32, #tpu.memory_space<hbm>> -> memref<10000x128xf32, #tpu.memory_space<hbm>>
        tpu.enqueue_indirect_dma source(%dma_start3A_280 : memref<10000x128xf32, #tpu.memory_space<hbm>>) target(%dma_start3A_274 : memref<80x128xf32, #tpu.memory_space<vmem>>) offsets(%dma_start3A_277 : memref<80xi32, #tpu.memory_space<vmem>>) semaphore(%arg13 : memref<!tpu.dma_semaphore, #tpu.memory_space<semaphore_mem>>)
      } else {
      }
      %add3A_182 = arith.constant 1 : i32
      %add3A_183 = arith.addi %mul3A_140, %add3A_182 : i32
      %dma_wait3A_184 = arith.constant 1 : i32
      %dma_wait3A_185 = arith.constant 0 : i32
      %dma_wait3A_186 = arith.constant 0 : i32
      %dma_wait3A_187 = tpu.memref_slice %arg9[%dma_wait3A_184, %dma_wait3A_185, %dma_wait3A_186] : memref<3x80x128xf32, #tpu.memory_space<vmem>> -> memref<1x80x128xf32, #tpu.memory_space<vmem>>
      %dma_wait3A_188 = tpu.memref_squeeze %dma_wait3A_187 : memref<1x80x128xf32, #tpu.memory_space<vmem>> -> memref<80x128xf32, #tpu.memory_space<vmem>>
      %dma_wait3A_189 = arith.constant 0 : i32
      %dma_wait3A_190 = tpu.memref_slice %arg7[%add3A_183, %dma_wait3A_189] : memref<125x80xi32, #tpu.memory_space<vmem>> -> memref<1x80xi32, #tpu.memory_space<vmem>>
      %dma_wait3A_191 = tpu.memref_squeeze %dma_wait3A_190 : memref<1x80xi32, #tpu.memory_space<vmem>> -> memref<80xi32, #tpu.memory_space<vmem>>
      %dma_wait3A_192 = arith.constant 0 : i32
      %dma_wait3A_193 = arith.constant 0 : i32
      %dma_wait3A_194 = tpu.memref_slice %arg2[%dma_wait3A_192, %dma_wait3A_193] : memref<10000x128xf32, #tpu.memory_space<hbm>> -> memref<10000x128xf32, #tpu.memory_space<hbm>>
      tpu.wait_indirect_dma semaphore(%arg12 : memref<!tpu.dma_semaphore, #tpu.memory_space<semaphore_mem>>) src(%dma_wait3A_194 : memref<10000x128xf32, #tpu.memory_space<hbm>>) dst(%dma_wait3A_188 : memref<80x128xf32, #tpu.memory_space<vmem>>)
      %dma_start3A_195 = arith.constant 1 : i32
      %dma_start3A_196 = arith.constant 0 : i32
      %dma_start3A_197 = arith.constant 0 : i32
      %dma_start3A_198 = tpu.memref_slice %arg9[%dma_start3A_195, %dma_start3A_196, %dma_start3A_197] : memref<3x80x128xf32, #tpu.memory_space<vmem>> -> memref<1x80x128xf32, #tpu.memory_space<vmem>>
      %dma_start3A_199 = tpu.memref_squeeze %dma_start3A_198 : memref<1x80x128xf32, #tpu.memory_space<vmem>> -> memref<80x128xf32, #tpu.memory_space<vmem>>
      %dma_start3A_200 = arith.constant 0 : i32
      %dma_start3A_201 = tpu.memref_slice %arg8[%add3A_183, %dma_start3A_200] : memref<125x80xi32, #tpu.memory_space<vmem>> -> memref<1x80xi32, #tpu.memory_space<vmem>>
      %dma_start3A_202 = tpu.memref_squeeze %dma_start3A_201 : memref<1x80xi32, #tpu.memory_space<vmem>> -> memref<80xi32, #tpu.memory_space<vmem>>
      %dma_start3A_203 = arith.constant 0 : i32
      %dma_start3A_204 = arith.constant 0 : i32
      %dma_start3A_205 = tpu.memref_slice %arg10[%dma_start3A_203, %dma_start3A_204] : memref<10000x128xf32, #tpu.memory_space<vmem_shared>> -> memref<10000x128xf32, #tpu.memory_space<vmem_shared>>
      tpu.enqueue_indirect_dma source(%dma_start3A_199 : memref<80x128xf32, #tpu.memory_space<vmem>>) target(%dma_start3A_205 : memref<10000x128xf32, #tpu.memory_space<vmem_shared>>) offsets(%dma_start3A_202 : memref<80xi32, #tpu.memory_space<vmem>>) semaphore(%arg15 : memref<!tpu.dma_semaphore, #tpu.memory_space<semaphore_mem>>) {add = true}
      %add3A_206 = arith.constant 2 : i32
      %add3A_207 = arith.addi %add3A_183, %add3A_206 : i32
      %lt3A_208 = arith.constant 125 : i32
      %lt3A_209 = arith.cmpi slt, %add3A_207, %lt3A_208 : i32
      %add3A_210 = arith.constant 2 : i32
      %add3A_211 = arith.addi %add3A_183, %add3A_210 : i32
      %ge3A_212 = arith.constant 3 : i32
      %ge3A_213 = arith.cmpi sge, %add3A_211, %ge3A_212 : i32
      %and3A_214 = arith.andi %lt3A_209, %ge3A_213 : i1
      %convert_element_type3A_215 = arith.extui %and3A_214 : i1 to i32
      %cond3A_216 = arith.constant 0 : i32
      %cond3A_217 = arith.cmpi ne, %convert_element_type3A_215, %cond3A_216 : i32
      scf.if %cond3A_217 {
        %dma_wait3A_268 = arith.constant 0 : i32
        %dma_wait3A_269 = arith.constant 0 : i32
        %dma_wait3A_270 = arith.constant 0 : i32
        %dma_wait3A_271 = tpu.memref_slice %arg9[%dma_wait3A_268, %dma_wait3A_269, %dma_wait3A_270] : memref<3x80x128xf32, #tpu.memory_space<vmem>> -> memref<1x80x128xf32, #tpu.memory_space<vmem>>
        %dma_wait3A_272 = tpu.memref_squeeze %dma_wait3A_271 : memref<1x80x128xf32, #tpu.memory_space<vmem>> -> memref<80x128xf32, #tpu.memory_space<vmem>>
        %dma_wait3A_273 = arith.constant 0 : i32
        %dma_wait3A_274 = tpu.memref_slice %arg8[%add3A_183, %dma_wait3A_273] : memref<125x80xi32, #tpu.memory_space<vmem>> -> memref<1x80xi32, #tpu.memory_space<vmem>>
        %dma_wait3A_275 = tpu.memref_squeeze %dma_wait3A_274 : memref<1x80xi32, #tpu.memory_space<vmem>> -> memref<80xi32, #tpu.memory_space<vmem>>
        %dma_wait3A_276 = arith.constant 0 : i32
        %dma_wait3A_277 = arith.constant 0 : i32
        %dma_wait3A_278 = tpu.memref_slice %arg10[%dma_wait3A_276, %dma_wait3A_277] : memref<10000x128xf32, #tpu.memory_space<vmem_shared>> -> memref<10000x128xf32, #tpu.memory_space<vmem_shared>>
        tpu.wait_indirect_dma semaphore(%arg14 : memref<!tpu.dma_semaphore, #tpu.memory_space<semaphore_mem>>) src(%dma_wait3A_272 : memref<80x128xf32, #tpu.memory_space<vmem>>) dst(%dma_wait3A_278 : memref<10000x128xf32, #tpu.memory_space<vmem_shared>>)
      } else {
      }
      %add3A_218 = arith.constant 2 : i32
      %add3A_219 = arith.addi %add3A_183, %add3A_218 : i32
      %lt3A_220 = arith.constant 125 : i32
      %lt3A_221 = arith.cmpi slt, %add3A_219, %lt3A_220 : i32
      %convert_element_type3A_222 = arith.extui %lt3A_221 : i1 to i32
      %cond3A_223 = arith.constant 0 : i32
      %cond3A_224 = arith.cmpi ne, %convert_element_type3A_222, %cond3A_223 : i32
      scf.if %cond3A_224 {
        %add3A_268 = arith.constant 2 : i32
        %add3A_269 = arith.addi %add3A_183, %add3A_268 : i32
        %dma_start3A_270 = arith.constant 0 : i32
        %dma_start3A_271 = arith.constant 0 : i32
        %dma_start3A_272 = arith.constant 0 : i32
        %dma_start3A_273 = tpu.memref_slice %arg9[%dma_start3A_270, %dma_start3A_271, %dma_start3A_272] : memref<3x80x128xf32, #tpu.memory_space<vmem>> -> memref<1x80x128xf32, #tpu.memory_space<vmem>>
        %dma_start3A_274 = tpu.memref_squeeze %dma_start3A_273 : memref<1x80x128xf32, #tpu.memory_space<vmem>> -> memref<80x128xf32, #tpu.memory_space<vmem>>
        %dma_start3A_275 = arith.constant 0 : i32
        %dma_start3A_276 = tpu.memref_slice %arg7[%add3A_269, %dma_start3A_275] : memref<125x80xi32, #tpu.memory_space<vmem>> -> memref<1x80xi32, #tpu.memory_space<vmem>>
        %dma_start3A_277 = tpu.memref_squeeze %dma_start3A_276 : memref<1x80xi32, #tpu.memory_space<vmem>> -> memref<80xi32, #tpu.memory_space<vmem>>
        %dma_start3A_278 = arith.constant 0 : i32
        %dma_start3A_279 = arith.constant 0 : i32
        %dma_start3A_280 = tpu.memref_slice %arg2[%dma_start3A_278, %dma_start3A_279] : memref<10000x128xf32, #tpu.memory_space<hbm>> -> memref<10000x128xf32, #tpu.memory_space<hbm>>
        tpu.enqueue_indirect_dma source(%dma_start3A_280 : memref<10000x128xf32, #tpu.memory_space<hbm>>) target(%dma_start3A_274 : memref<80x128xf32, #tpu.memory_space<vmem>>) offsets(%dma_start3A_277 : memref<80xi32, #tpu.memory_space<vmem>>) semaphore(%arg11 : memref<!tpu.dma_semaphore, #tpu.memory_space<semaphore_mem>>)
      } else {
      }
      %add3A_225 = arith.constant 2 : i32
      %add3A_226 = arith.addi %mul3A_140, %add3A_225 : i32
      %dma_wait3A_227 = arith.constant 2 : i32
      %dma_wait3A_228 = arith.constant 0 : i32
      %dma_wait3A_229 = arith.constant 0 : i32
      %dma_wait3A_230 = tpu.memref_slice %arg9[%dma_wait3A_227, %dma_wait3A_228, %dma_wait3A_229] : memref<3x80x128xf32, #tpu.memory_space<vmem>> -> memref<1x80x128xf32, #tpu.memory_space<vmem>>
      %dma_wait3A_231 = tpu.memref_squeeze %dma_wait3A_230 : memref<1x80x128xf32, #tpu.memory_space<vmem>> -> memref<80x128xf32, #tpu.memory_space<vmem>>
      %dma_wait3A_232 = arith.constant 0 : i32
      %dma_wait3A_233 = tpu.memref_slice %arg7[%add3A_226, %dma_wait3A_232] : memref<125x80xi32, #tpu.memory_space<vmem>> -> memref<1x80xi32, #tpu.memory_space<vmem>>
      %dma_wait3A_234 = tpu.memref_squeeze %dma_wait3A_233 : memref<1x80xi32, #tpu.memory_space<vmem>> -> memref<80xi32, #tpu.memory_space<vmem>>
      %dma_wait3A_235 = arith.constant 0 : i32
      %dma_wait3A_236 = arith.constant 0 : i32
      %dma_wait3A_237 = tpu.memref_slice %arg2[%dma_wait3A_235, %dma_wait3A_236] : memref<10000x128xf32, #tpu.memory_space<hbm>> -> memref<10000x128xf32, #tpu.memory_space<hbm>>
      tpu.wait_indirect_dma semaphore(%arg13 : memref<!tpu.dma_semaphore, #tpu.memory_space<semaphore_mem>>) src(%dma_wait3A_237 : memref<10000x128xf32, #tpu.memory_space<hbm>>) dst(%dma_wait3A_231 : memref<80x128xf32, #tpu.memory_space<vmem>>)
      %dma_start3A_238 = arith.constant 2 : i32
      %dma_start3A_239 = arith.constant 0 : i32
      %dma_start3A_240 = arith.constant 0 : i32
      %dma_start3A_241 = tpu.memref_slice %arg9[%dma_start3A_238, %dma_start3A_239, %dma_start3A_240] : memref<3x80x128xf32, #tpu.memory_space<vmem>> -> memref<1x80x128xf32, #tpu.memory_space<vmem>>
      %dma_start3A_242 = tpu.memref_squeeze %dma_start3A_241 : memref<1x80x128xf32, #tpu.memory_space<vmem>> -> memref<80x128xf32, #tpu.memory_space<vmem>>
      %dma_start3A_243 = arith.constant 0 : i32
      %dma_start3A_244 = tpu.memref_slice %arg8[%add3A_226, %dma_start3A_243] : memref<125x80xi32, #tpu.memory_space<vmem>> -> memref<1x80xi32, #tpu.memory_space<vmem>>
      %dma_start3A_245 = tpu.memref_squeeze %dma_start3A_244 : memref<1x80xi32, #tpu.memory_space<vmem>> -> memref<80xi32, #tpu.memory_space<vmem>>
      %dma_start3A_246 = arith.constant 0 : i32
      %dma_start3A_247 = arith.constant 0 : i32
      %dma_start3A_248 = tpu.memref_slice %arg10[%dma_start3A_246, %dma_start3A_247] : memref<10000x128xf32, #tpu.memory_space<vmem_shared>> -> memref<10000x128xf32, #tpu.memory_space<vmem_shared>>
      tpu.enqueue_indirect_dma source(%dma_start3A_242 : memref<80x128xf32, #tpu.memory_space<vmem>>) target(%dma_start3A_248 : memref<10000x128xf32, #tpu.memory_space<vmem_shared>>) offsets(%dma_start3A_245 : memref<80xi32, #tpu.memory_space<vmem>>) semaphore(%arg16 : memref<!tpu.dma_semaphore, #tpu.memory_space<semaphore_mem>>) {add = true}
      %add3A_249 = arith.constant 2 : i32
      %add3A_250 = arith.addi %add3A_226, %add3A_249 : i32
      %lt3A_251 = arith.constant 125 : i32
      %lt3A_252 = arith.cmpi slt, %add3A_250, %lt3A_251 : i32
      %add3A_253 = arith.constant 2 : i32
      %add3A_254 = arith.addi %add3A_226, %add3A_253 : i32
      %ge3A_255 = arith.constant 3 : i32
      %ge3A_256 = arith.cmpi sge, %add3A_254, %ge3A_255 : i32
      %and3A_257 = arith.andi %lt3A_252, %ge3A_256 : i1
      %convert_element_type3A_258 = arith.extui %and3A_257 : i1 to i32
      %cond3A_259 = arith.constant 0 : i32
      %cond3A_260 = arith.cmpi ne, %convert_element_type3A_258, %cond3A_259 : i32
      scf.if %cond3A_260 {
        %dma_wait3A_268 = arith.constant 1 : i32
        %dma_wait3A_269 = arith.constant 0 : i32
        %dma_wait3A_270 = arith.constant 0 : i32
        %dma_wait3A_271 = tpu.memref_slice %arg9[%dma_wait3A_268, %dma_wait3A_269, %dma_wait3A_270] : memref<3x80x128xf32, #tpu.memory_space<vmem>> -> memref<1x80x128xf32, #tpu.memory_space<vmem>>
        %dma_wait3A_272 = tpu.memref_squeeze %dma_wait3A_271 : memref<1x80x128xf32, #tpu.memory_space<vmem>> -> memref<80x128xf32, #tpu.memory_space<vmem>>
        %dma_wait3A_273 = arith.constant 0 : i32
        %dma_wait3A_274 = tpu.memref_slice %arg8[%add3A_226, %dma_wait3A_273] : memref<125x80xi32, #tpu.memory_space<vmem>> -> memref<1x80xi32, #tpu.memory_space<vmem>>
        %dma_wait3A_275 = tpu.memref_squeeze %dma_wait3A_274 : memref<1x80xi32, #tpu.memory_space<vmem>> -> memref<80xi32, #tpu.memory_space<vmem>>
        %dma_wait3A_276 = arith.constant 0 : i32
        %dma_wait3A_277 = arith.constant 0 : i32
        %dma_wait3A_278 = tpu.memref_slice %arg10[%dma_wait3A_276, %dma_wait3A_277] : memref<10000x128xf32, #tpu.memory_space<vmem_shared>> -> memref<10000x128xf32, #tpu.memory_space<vmem_shared>>
        tpu.wait_indirect_dma semaphore(%arg15 : memref<!tpu.dma_semaphore, #tpu.memory_space<semaphore_mem>>) src(%dma_wait3A_272 : memref<80x128xf32, #tpu.memory_space<vmem>>) dst(%dma_wait3A_278 : memref<10000x128xf32, #tpu.memory_space<vmem_shared>>)
      } else {
      }
      %add3A_261 = arith.constant 2 : i32
      %add3A_262 = arith.addi %add3A_226, %add3A_261 : i32
      %lt3A_263 = arith.constant 125 : i32
      %lt3A_264 = arith.cmpi slt, %add3A_262, %lt3A_263 : i32
      %convert_element_type3A_265 = arith.extui %lt3A_264 : i1 to i32
      %cond3A_266 = arith.constant 0 : i32
      %cond3A_267 = arith.cmpi ne, %convert_element_type3A_265, %cond3A_266 : i32
      scf.if %cond3A_267 {
        %add3A_268 = arith.constant 2 : i32
        %add3A_269 = arith.addi %add3A_226, %add3A_268 : i32
        %dma_start3A_270 = arith.constant 1 : i32
        %dma_start3A_271 = arith.constant 0 : i32
        %dma_start3A_272 = arith.constant 0 : i32
        %dma_start3A_273 = tpu.memref_slice %arg9[%dma_start3A_270, %dma_start3A_271, %dma_start3A_272] : memref<3x80x128xf32, #tpu.memory_space<vmem>> -> memref<1x80x128xf32, #tpu.memory_space<vmem>>
        %dma_start3A_274 = tpu.memref_squeeze %dma_start3A_273 : memref<1x80x128xf32, #tpu.memory_space<vmem>> -> memref<80x128xf32, #tpu.memory_space<vmem>>
        %dma_start3A_275 = arith.constant 0 : i32
        %dma_start3A_276 = tpu.memref_slice %arg7[%add3A_269, %dma_start3A_275] : memref<125x80xi32, #tpu.memory_space<vmem>> -> memref<1x80xi32, #tpu.memory_space<vmem>>
        %dma_start3A_277 = tpu.memref_squeeze %dma_start3A_276 : memref<1x80xi32, #tpu.memory_space<vmem>> -> memref<80xi32, #tpu.memory_space<vmem>>
        %dma_start3A_278 = arith.constant 0 : i32
        %dma_start3A_279 = arith.constant 0 : i32
        %dma_start3A_280 = tpu.memref_slice %arg2[%dma_start3A_278, %dma_start3A_279] : memref<10000x128xf32, #tpu.memory_space<hbm>> -> memref<10000x128xf32, #tpu.memory_space<hbm>>
        tpu.enqueue_indirect_dma source(%dma_start3A_280 : memref<10000x128xf32, #tpu.memory_space<hbm>>) target(%dma_start3A_274 : memref<80x128xf32, #tpu.memory_space<vmem>>) offsets(%dma_start3A_277 : memref<80xi32, #tpu.memory_space<vmem>>) semaphore(%arg12 : memref<!tpu.dma_semaphore, #tpu.memory_space<semaphore_mem>>)
      } else {
      }
    }
    %scan3A_31 = arith.constant 41 : i32
    %dma_wait3A = arith.constant 123 : i32
    %dma_wait3A_32 = arith.constant 0 : i32
    %dma_wait3A_33 = arith.constant 0 : i32
    %dma_wait3A_34 = arith.constant 0 : i32
    %dma_wait3A_35 = tpu.memref_slice %arg9[%dma_wait3A_32, %dma_wait3A_33, %dma_wait3A_34] : memref<3x80x128xf32, #tpu.memory_space<vmem>> -> memref<1x80x128xf32, #tpu.memory_space<vmem>>
    %dma_wait3A_36 = tpu.memref_squeeze %dma_wait3A_35 : memref<1x80x128xf32, #tpu.memory_space<vmem>> -> memref<80x128xf32, #tpu.memory_space<vmem>>
    %dma_wait3A_37 = arith.constant 0 : i32
    %dma_wait3A_38 = tpu.memref_slice %arg7[%dma_wait3A, %dma_wait3A_37] : memref<125x80xi32, #tpu.memory_space<vmem>> -> memref<1x80xi32, #tpu.memory_space<vmem>>
    %dma_wait3A_39 = tpu.memref_squeeze %dma_wait3A_38 : memref<1x80xi32, #tpu.memory_space<vmem>> -> memref<80xi32, #tpu.memory_space<vmem>>
    %dma_wait3A_40 = arith.constant 0 : i32
    %dma_wait3A_41 = arith.constant 0 : i32
    %dma_wait3A_42 = tpu.memref_slice %arg2[%dma_wait3A_40, %dma_wait3A_41] : memref<10000x128xf32, #tpu.memory_space<hbm>> -> memref<10000x128xf32, #tpu.memory_space<hbm>>
    tpu.wait_indirect_dma semaphore(%arg11 : memref<!tpu.dma_semaphore, #tpu.memory_space<semaphore_mem>>) src(%dma_wait3A_42 : memref<10000x128xf32, #tpu.memory_space<hbm>>) dst(%dma_wait3A_36 : memref<80x128xf32, #tpu.memory_space<vmem>>)
    %dma_start3A_43 = arith.constant 0 : i32
    %dma_start3A_44 = arith.constant 123 : i32
    %dma_start3A_45 = arith.constant 0 : i32
    %dma_start3A_46 = arith.constant 0 : i32
    %dma_start3A_47 = tpu.memref_slice %arg9[%dma_start3A_43, %dma_start3A_45, %dma_start3A_46] : memref<3x80x128xf32, #tpu.memory_space<vmem>> -> memref<1x80x128xf32, #tpu.memory_space<vmem>>
    %dma_start3A_48 = tpu.memref_squeeze %dma_start3A_47 : memref<1x80x128xf32, #tpu.memory_space<vmem>> -> memref<80x128xf32, #tpu.memory_space<vmem>>
    %dma_start3A_49 = arith.constant 0 : i32
    %dma_start3A_50 = tpu.memref_slice %arg8[%dma_start3A_44, %dma_start3A_49] : memref<125x80xi32, #tpu.memory_space<vmem>> -> memref<1x80xi32, #tpu.memory_space<vmem>>
    %dma_start3A_51 = tpu.memref_squeeze %dma_start3A_50 : memref<1x80xi32, #tpu.memory_space<vmem>> -> memref<80xi32, #tpu.memory_space<vmem>>
    %dma_start3A_52 = arith.constant 0 : i32
    %dma_start3A_53 = arith.constant 0 : i32
    %dma_start3A_54 = tpu.memref_slice %arg10[%dma_start3A_52, %dma_start3A_53] : memref<10000x128xf32, #tpu.memory_space<vmem_shared>> -> memref<10000x128xf32, #tpu.memory_space<vmem_shared>>
    tpu.enqueue_indirect_dma source(%dma_start3A_48 : memref<80x128xf32, #tpu.memory_space<vmem>>) target(%dma_start3A_54 : memref<10000x128xf32, #tpu.memory_space<vmem_shared>>) offsets(%dma_start3A_51 : memref<80xi32, #tpu.memory_space<vmem>>) semaphore(%arg14 : memref<!tpu.dma_semaphore, #tpu.memory_space<semaphore_mem>>) {add = true}
    %and3A = arith.constant false
    %and3A_55 = arith.constant true
    %and3A_56 = arith.andi %and3A, %and3A_55 : i1
    %convert_element_type3A_57 = arith.extui %and3A_56 : i1 to i32
    %cond3A_58 = arith.constant 0 : i32
    %cond3A_59 = arith.cmpi ne, %convert_element_type3A_57, %cond3A_58 : i32
    scf.if %cond3A_59 {
      %dma_wait3A_138 = arith.constant 2 : i32
      %dma_wait3A_139 = arith.constant 123 : i32
      %dma_wait3A_140 = arith.constant 0 : i32
      %dma_wait3A_141 = arith.constant 0 : i32
      %dma_wait3A_142 = tpu.memref_slice %arg9[%dma_wait3A_138, %dma_wait3A_140, %dma_wait3A_141] : memref<3x80x128xf32, #tpu.memory_space<vmem>> -> memref<1x80x128xf32, #tpu.memory_space<vmem>>
      %dma_wait3A_143 = tpu.memref_squeeze %dma_wait3A_142 : memref<1x80x128xf32, #tpu.memory_space<vmem>> -> memref<80x128xf32, #tpu.memory_space<vmem>>
      %dma_wait3A_144 = arith.constant 0 : i32
      %dma_wait3A_145 = tpu.memref_slice %arg8[%dma_wait3A_139, %dma_wait3A_144] : memref<125x80xi32, #tpu.memory_space<vmem>> -> memref<1x80xi32, #tpu.memory_space<vmem>>
      %dma_wait3A_146 = tpu.memref_squeeze %dma_wait3A_145 : memref<1x80xi32, #tpu.memory_space<vmem>> -> memref<80xi32, #tpu.memory_space<vmem>>
      %dma_wait3A_147 = arith.constant 0 : i32
      %dma_wait3A_148 = arith.constant 0 : i32
      %dma_wait3A_149 = tpu.memref_slice %arg10[%dma_wait3A_147, %dma_wait3A_148] : memref<10000x128xf32, #tpu.memory_space<vmem_shared>> -> memref<10000x128xf32, #tpu.memory_space<vmem_shared>>
      tpu.wait_indirect_dma semaphore(%arg16 : memref<!tpu.dma_semaphore, #tpu.memory_space<semaphore_mem>>) src(%dma_wait3A_143 : memref<80x128xf32, #tpu.memory_space<vmem>>) dst(%dma_wait3A_149 : memref<10000x128xf32, #tpu.memory_space<vmem_shared>>)
    } else {
    }
    %cond3A_60 = arith.constant 0 : i32
    %dma_wait3A_61 = arith.constant 124 : i32
    %dma_wait3A_62 = arith.constant 1 : i32
    %dma_wait3A_63 = arith.constant 0 : i32
    %dma_wait3A_64 = arith.constant 0 : i32
    %dma_wait3A_65 = tpu.memref_slice %arg9[%dma_wait3A_62, %dma_wait3A_63, %dma_wait3A_64] : memref<3x80x128xf32, #tpu.memory_space<vmem>> -> memref<1x80x128xf32, #tpu.memory_space<vmem>>
    %dma_wait3A_66 = tpu.memref_squeeze %dma_wait3A_65 : memref<1x80x128xf32, #tpu.memory_space<vmem>> -> memref<80x128xf32, #tpu.memory_space<vmem>>
    %dma_wait3A_67 = arith.constant 0 : i32
    %dma_wait3A_68 = tpu.memref_slice %arg7[%dma_wait3A_61, %dma_wait3A_67] : memref<125x80xi32, #tpu.memory_space<vmem>> -> memref<1x80xi32, #tpu.memory_space<vmem>>
    %dma_wait3A_69 = tpu.memref_squeeze %dma_wait3A_68 : memref<1x80xi32, #tpu.memory_space<vmem>> -> memref<80xi32, #tpu.memory_space<vmem>>
    %dma_wait3A_70 = arith.constant 0 : i32
    %dma_wait3A_71 = arith.constant 0 : i32
    %dma_wait3A_72 = tpu.memref_slice %arg2[%dma_wait3A_70, %dma_wait3A_71] : memref<10000x128xf32, #tpu.memory_space<hbm>> -> memref<10000x128xf32, #tpu.memory_space<hbm>>
    tpu.wait_indirect_dma semaphore(%arg12 : memref<!tpu.dma_semaphore, #tpu.memory_space<semaphore_mem>>) src(%dma_wait3A_72 : memref<10000x128xf32, #tpu.memory_space<hbm>>) dst(%dma_wait3A_66 : memref<80x128xf32, #tpu.memory_space<vmem>>)
    %dma_start3A_73 = arith.constant 1 : i32
    %dma_start3A_74 = arith.constant 124 : i32
    %dma_start3A_75 = arith.constant 0 : i32
    %dma_start3A_76 = arith.constant 0 : i32
    %dma_start3A_77 = tpu.memref_slice %arg9[%dma_start3A_73, %dma_start3A_75, %dma_start3A_76] : memref<3x80x128xf32, #tpu.memory_space<vmem>> -> memref<1x80x128xf32, #tpu.memory_space<vmem>>
    %dma_start3A_78 = tpu.memref_squeeze %dma_start3A_77 : memref<1x80x128xf32, #tpu.memory_space<vmem>> -> memref<80x128xf32, #tpu.memory_space<vmem>>
    %dma_start3A_79 = arith.constant 0 : i32
    %dma_start3A_80 = tpu.memref_slice %arg8[%dma_start3A_74, %dma_start3A_79] : memref<125x80xi32, #tpu.memory_space<vmem>> -> memref<1x80xi32, #tpu.memory_space<vmem>>
    %dma_start3A_81 = tpu.memref_squeeze %dma_start3A_80 : memref<1x80xi32, #tpu.memory_space<vmem>> -> memref<80xi32, #tpu.memory_space<vmem>>
    %dma_start3A_82 = arith.constant 0 : i32
    %dma_start3A_83 = arith.constant 0 : i32
    %dma_start3A_84 = tpu.memref_slice %arg10[%dma_start3A_82, %dma_start3A_83] : memref<10000x128xf32, #tpu.memory_space<vmem_shared>> -> memref<10000x128xf32, #tpu.memory_space<vmem_shared>>
    tpu.enqueue_indirect_dma source(%dma_start3A_78 : memref<80x128xf32, #tpu.memory_space<vmem>>) target(%dma_start3A_84 : memref<10000x128xf32, #tpu.memory_space<vmem_shared>>) offsets(%dma_start3A_81 : memref<80xi32, #tpu.memory_space<vmem>>) semaphore(%arg15 : memref<!tpu.dma_semaphore, #tpu.memory_space<semaphore_mem>>) {add = true}
    %and3A_85 = arith.constant false
    %and3A_86 = arith.constant true
    %and3A_87 = arith.andi %and3A_85, %and3A_86 : i1
    %convert_element_type3A_88 = arith.extui %and3A_87 : i1 to i32
    %cond3A_89 = arith.constant 0 : i32
    %cond3A_90 = arith.cmpi ne, %convert_element_type3A_88, %cond3A_89 : i32
    scf.if %cond3A_90 {
      %dma_wait3A_138 = arith.constant 0 : i32
      %dma_wait3A_139 = arith.constant 124 : i32
      %dma_wait3A_140 = arith.constant 0 : i32
      %dma_wait3A_141 = arith.constant 0 : i32
      %dma_wait3A_142 = tpu.memref_slice %arg9[%dma_wait3A_138, %dma_wait3A_140, %dma_wait3A_141] : memref<3x80x128xf32, #tpu.memory_space<vmem>> -> memref<1x80x128xf32, #tpu.memory_space<vmem>>
      %dma_wait3A_143 = tpu.memref_squeeze %dma_wait3A_142 : memref<1x80x128xf32, #tpu.memory_space<vmem>> -> memref<80x128xf32, #tpu.memory_space<vmem>>
      %dma_wait3A_144 = arith.constant 0 : i32
      %dma_wait3A_145 = tpu.memref_slice %arg8[%dma_wait3A_139, %dma_wait3A_144] : memref<125x80xi32, #tpu.memory_space<vmem>> -> memref<1x80xi32, #tpu.memory_space<vmem>>
      %dma_wait3A_146 = tpu.memref_squeeze %dma_wait3A_145 : memref<1x80xi32, #tpu.memory_space<vmem>> -> memref<80xi32, #tpu.memory_space<vmem>>
      %dma_wait3A_147 = arith.constant 0 : i32
      %dma_wait3A_148 = arith.constant 0 : i32
      %dma_wait3A_149 = tpu.memref_slice %arg10[%dma_wait3A_147, %dma_wait3A_148] : memref<10000x128xf32, #tpu.memory_space<vmem_shared>> -> memref<10000x128xf32, #tpu.memory_space<vmem_shared>>
      tpu.wait_indirect_dma semaphore(%arg14 : memref<!tpu.dma_semaphore, #tpu.memory_space<semaphore_mem>>) src(%dma_wait3A_143 : memref<80x128xf32, #tpu.memory_space<vmem>>) dst(%dma_wait3A_149 : memref<10000x128xf32, #tpu.memory_space<vmem_shared>>)
    } else {
    }
    %cond3A_91 = arith.constant 0 : i32
    %dma_wait3A_92 = arith.constant 2 : i32
    %dma_wait3A_93 = arith.constant 0 : i32
    %dma_wait3A_94 = arith.constant 0 : i32
    %dma_wait3A_95 = arith.constant 0 : i32
    %dma_wait3A_96 = tpu.memref_slice %arg9[%dma_wait3A_92, %dma_wait3A_94, %dma_wait3A_95] : memref<3x80x128xf32, #tpu.memory_space<vmem>> -> memref<1x80x128xf32, #tpu.memory_space<vmem>>
    %dma_wait3A_97 = tpu.memref_squeeze %dma_wait3A_96 : memref<1x80x128xf32, #tpu.memory_space<vmem>> -> memref<80x128xf32, #tpu.memory_space<vmem>>
    %dma_wait3A_98 = arith.constant 0 : i32
    %dma_wait3A_99 = tpu.memref_slice %arg8[%dma_wait3A_93, %dma_wait3A_98] : memref<125x80xi32, #tpu.memory_space<vmem>> -> memref<1x80xi32, #tpu.memory_space<vmem>>
    %dma_wait3A_100 = tpu.memref_squeeze %dma_wait3A_99 : memref<1x80xi32, #tpu.memory_space<vmem>> -> memref<80xi32, #tpu.memory_space<vmem>>
    %dma_wait3A_101 = arith.constant 0 : i32
    %dma_wait3A_102 = arith.constant 0 : i32
    %dma_wait3A_103 = tpu.memref_slice %arg10[%dma_wait3A_101, %dma_wait3A_102] : memref<10000x128xf32, #tpu.memory_space<vmem_shared>> -> memref<10000x128xf32, #tpu.memory_space<vmem_shared>>
    tpu.wait_indirect_dma semaphore(%arg16 : memref<!tpu.dma_semaphore, #tpu.memory_space<semaphore_mem>>) src(%dma_wait3A_97 : memref<80x128xf32, #tpu.memory_space<vmem>>) dst(%dma_wait3A_103 : memref<10000x128xf32, #tpu.memory_space<vmem_shared>>)
    %dma_wait3A_104 = arith.constant 0 : i32
    %dma_wait3A_105 = arith.constant 0 : i32
    %dma_wait3A_106 = arith.constant 0 : i32
    %dma_wait3A_107 = arith.constant 0 : i32
    %dma_wait3A_108 = tpu.memref_slice %arg9[%dma_wait3A_104, %dma_wait3A_106, %dma_wait3A_107] : memref<3x80x128xf32, #tpu.memory_space<vmem>> -> memref<1x80x128xf32, #tpu.memory_space<vmem>>
    %dma_wait3A_109 = tpu.memref_squeeze %dma_wait3A_108 : memref<1x80x128xf32, #tpu.memory_space<vmem>> -> memref<80x128xf32, #tpu.memory_space<vmem>>
    %dma_wait3A_110 = arith.constant 0 : i32
    %dma_wait3A_111 = tpu.memref_slice %arg8[%dma_wait3A_105, %dma_wait3A_110] : memref<125x80xi32, #tpu.memory_space<vmem>> -> memref<1x80xi32, #tpu.memory_space<vmem>>
    %dma_wait3A_112 = tpu.memref_squeeze %dma_wait3A_111 : memref<1x80xi32, #tpu.memory_space<vmem>> -> memref<80xi32, #tpu.memory_space<vmem>>
    %dma_wait3A_113 = arith.constant 0 : i32
    %dma_wait3A_114 = arith.constant 0 : i32
    %dma_wait3A_115 = tpu.memref_slice %arg10[%dma_wait3A_113, %dma_wait3A_114] : memref<10000x128xf32, #tpu.memory_space<vmem_shared>> -> memref<10000x128xf32, #tpu.memory_space<vmem_shared>>
    tpu.wait_indirect_dma semaphore(%arg14 : memref<!tpu.dma_semaphore, #tpu.memory_space<semaphore_mem>>) src(%dma_wait3A_109 : memref<80x128xf32, #tpu.memory_space<vmem>>) dst(%dma_wait3A_115 : memref<10000x128xf32, #tpu.memory_space<vmem_shared>>)
    %dma_wait3A_116 = arith.constant 1 : i32
    %dma_wait3A_117 = arith.constant 0 : i32
    %dma_wait3A_118 = arith.constant 0 : i32
    %dma_wait3A_119 = arith.constant 0 : i32
    %dma_wait3A_120 = tpu.memref_slice %arg9[%dma_wait3A_116, %dma_wait3A_118, %dma_wait3A_119] : memref<3x80x128xf32, #tpu.memory_space<vmem>> -> memref<1x80x128xf32, #tpu.memory_space<vmem>>
    %dma_wait3A_121 = tpu.memref_squeeze %dma_wait3A_120 : memref<1x80x128xf32, #tpu.memory_space<vmem>> -> memref<80x128xf32, #tpu.memory_space<vmem>>
    %dma_wait3A_122 = arith.constant 0 : i32
    %dma_wait3A_123 = tpu.memref_slice %arg8[%dma_wait3A_117, %dma_wait3A_122] : memref<125x80xi32, #tpu.memory_space<vmem>> -> memref<1x80xi32, #tpu.memory_space<vmem>>
    %dma_wait3A_124 = tpu.memref_squeeze %dma_wait3A_123 : memref<1x80xi32, #tpu.memory_space<vmem>> -> memref<80xi32, #tpu.memory_space<vmem>>
    %dma_wait3A_125 = arith.constant 0 : i32
    %dma_wait3A_126 = arith.constant 0 : i32
    %dma_wait3A_127 = tpu.memref_slice %arg10[%dma_wait3A_125, %dma_wait3A_126] : memref<10000x128xf32, #tpu.memory_space<vmem_shared>> -> memref<10000x128xf32, #tpu.memory_space<vmem_shared>>
    tpu.wait_indirect_dma semaphore(%arg15 : memref<!tpu.dma_semaphore, #tpu.memory_space<semaphore_mem>>) src(%dma_wait3A_121 : memref<80x128xf32, #tpu.memory_space<vmem>>) dst(%dma_wait3A_127 : memref<10000x128xf32, #tpu.memory_space<vmem_shared>>)
    %barrier3A_128 = arith.constant 0 : index
    tpu.barrier barrier_id(%barrier3A_128)
    %mul3A_129 = arith.constant 624 : i32
    %mul3A_130 = arith.muli %arg1, %mul3A_129 : i32
    %mul3A_131 = arith.constant 624 : i32
    %mul3A_132 = arith.muli %arg1, %mul3A_131 : i32
    "tpu.region"() ({
      %run_scoped3A = tpu.sem_alloc : memref<!tpu.dma_semaphore, #tpu.memory_space<semaphore_mem>>
      %dma_start3A_138 = arith.constant 0 : i32
      %dma_start3A_139 = tpu.memref_slice %arg6[%arg0, %mul3A_132, %dma_start3A_138] : memref<2x10000x128xf32, #tpu.memory_space<hbm>> -> memref<1x624x128xf32, #tpu.memory_space<hbm>>
      %dma_start3A_140 = tpu.memref_squeeze %dma_start3A_139 : memref<1x624x128xf32, #tpu.memory_space<hbm>> -> memref<624x128xf32, #tpu.memory_space<hbm>>
      %dma_start3A_141 = arith.constant 0 : i32
      %dma_start3A_142 = tpu.memref_slice %arg10[%mul3A_130, %dma_start3A_141] : memref<10000x128xf32, #tpu.memory_space<vmem_shared>> -> memref<624x128xf32, #tpu.memory_space<vmem_shared>>
      tpu.enqueue_dma source(%dma_start3A_142 : memref<624x128xf32, #tpu.memory_space<vmem_shared>>) target(%dma_start3A_140 : memref<624x128xf32, #tpu.memory_space<hbm>>) target_semaphore(%run_scoped3A : memref<!tpu.dma_semaphore, #tpu.memory_space<semaphore_mem>>)
      %dma_wait3A_143 = arith.constant 0 : i32
      %dma_wait3A_144 = tpu.memref_slice %arg6[%arg0, %mul3A_132, %dma_wait3A_143] : memref<2x10000x128xf32, #tpu.memory_space<hbm>> -> memref<1x624x128xf32, #tpu.memory_space<hbm>>
      %dma_wait3A_145 = tpu.memref_squeeze %dma_wait3A_144 : memref<1x624x128xf32, #tpu.memory_space<hbm>> -> memref<624x128xf32, #tpu.memory_space<hbm>>
      %dma_wait3A_146 = arith.constant 0 : i32
      %dma_wait3A_147 = tpu.memref_slice %arg10[%mul3A_130, %dma_wait3A_146] : memref<10000x128xf32, #tpu.memory_space<vmem_shared>> -> memref<624x128xf32, #tpu.memory_space<vmem_shared>>
      tpu.wait_dma2 semaphore(%run_scoped3A : memref<!tpu.dma_semaphore, #tpu.memory_space<semaphore_mem>>) src(%dma_wait3A_147 : memref<624x128xf32, #tpu.memory_space<vmem_shared>>) dst(%dma_wait3A_145 : memref<624x128xf32, #tpu.memory_space<hbm>>)
      tpu.yield
    }) : () -> ()
    %eq3A_133 = arith.constant 15 : i32
    %eq3A_134 = arith.cmpi eq, %arg1, %eq3A_133 : i32
    %convert_element_type3A_135 = arith.extui %eq3A_134 : i1 to i32
    %cond3A_136 = arith.constant 0 : i32
    %cond3A_137 = arith.cmpi ne, %convert_element_type3A_135, %cond3A_136 : i32
    scf.if %cond3A_137 {
      "tpu.region"() ({
        %run_scoped3A = tpu.sem_alloc : memref<!tpu.dma_semaphore, #tpu.memory_space<semaphore_mem>>
        %dma_start3A_138 = arith.constant 9984 : i32
        %dma_start3A_139 = arith.constant 0 : i32
        %dma_start3A_140 = tpu.memref_slice %arg6[%arg0, %dma_start3A_138, %dma_start3A_139] : memref<2x10000x128xf32, #tpu.memory_space<hbm>> -> memref<1x16x128xf32, #tpu.memory_space<hbm>>
        %dma_start3A_141 = tpu.memref_squeeze %dma_start3A_140 : memref<1x16x128xf32, #tpu.memory_space<hbm>> -> memref<16x128xf32, #tpu.memory_space<hbm>>
        %dma_start3A_142 = arith.constant 9984 : i32
        %dma_start3A_143 = arith.constant 0 : i32
        %dma_start3A_144 = tpu.memref_slice %arg10[%dma_start3A_142, %dma_start3A_143] : memref<10000x128xf32, #tpu.memory_space<vmem_shared>> -> memref<16x128xf32, #tpu.memory_space<vmem_shared>>
        tpu.enqueue_dma source(%dma_start3A_144 : memref<16x128xf32, #tpu.memory_space<vmem_shared>>) target(%dma_start3A_141 : memref<16x128xf32, #tpu.memory_space<hbm>>) target_semaphore(%run_scoped3A : memref<!tpu.dma_semaphore, #tpu.memory_space<semaphore_mem>>)
        %dma_wait3A_145 = arith.constant 9984 : i32
        %dma_wait3A_146 = arith.constant 0 : i32
        %dma_wait3A_147 = tpu.memref_slice %arg6[%arg0, %dma_wait3A_145, %dma_wait3A_146] : memref<2x10000x128xf32, #tpu.memory_space<hbm>> -> memref<1x16x128xf32, #tpu.memory_space<hbm>>
        %dma_wait3A_148 = tpu.memref_squeeze %dma_wait3A_147 : memref<1x16x128xf32, #tpu.memory_space<hbm>> -> memref<16x128xf32, #tpu.memory_space<hbm>>
        %dma_wait3A_149 = arith.constant 9984 : i32
        %dma_wait3A_150 = arith.constant 0 : i32
        %dma_wait3A_151 = tpu.memref_slice %arg10[%dma_wait3A_149, %dma_wait3A_150] : memref<10000x128xf32, #tpu.memory_space<vmem_shared>> -> memref<16x128xf32, #tpu.memory_space<vmem_shared>>
        tpu.wait_dma2 semaphore(%run_scoped3A : memref<!tpu.dma_semaphore, #tpu.memory_space<semaphore_mem>>) src(%dma_wait3A_151 : memref<16x128xf32, #tpu.memory_space<vmem_shared>>) dst(%dma_wait3A_148 : memref<16x128xf32, #tpu.memory_space<hbm>>)
        tpu.yield
      }) : () -> ()
    } else {
    }
    return
  }
}

module attributes {stable_mosaic.version = 14 : i64} {
  func.func @body(%arg0: i32, %arg1: memref<2x1000x128xf32, #tpu.memory_space<vmem>>, %arg2: memref<128x128xf32, #tpu.memory_space<vmem>>, %arg3: memref<1000x128xf32, #tpu.memory_space<vmem>>) attributes {dimension_semantics = [#tpu.dimension_semantics<arbitrary>], iteration_bounds = array<i64: 10>, scalar_prefetch = 0 : i64, scratch_operands = 0 : i64, tpu.core_type = #tpu.core_type<tc>, window_params = [{transform_indices = @transform_0, window_bounds = array<i64: 2, 1000, 128>}, {pipeline_mode = #tpu.pipeline_mode<synchronous>, transform_indices = @transform_1, window_bounds = array<i64: 128, 128>}, {transform_indices = @transform_2, window_bounds = array<i64: 1000, 128>}]} {
    %get3A = arith.constant 0 : index
    %get3A_0 = arith.constant 0 : index
    %get3A_1 = arith.constant 0 : index
    %get3A_2 = vector.load %arg1[%get3A, %get3A_0, %get3A_1] : memref<2x1000x128xf32, #tpu.memory_space<vmem>>, vector<1x1000x128xf32>
    %get3A_3 = vector.shape_cast %get3A_2 : vector<1x1000x128xf32> to vector<1000x128xf32>
    %get3A_4 = arith.constant 1 : index
    %get3A_5 = arith.constant 0 : index
    %get3A_6 = arith.constant 0 : index
    %get3A_7 = vector.load %arg1[%get3A_4, %get3A_5, %get3A_6] : memref<2x1000x128xf32, #tpu.memory_space<vmem>>, vector<1x1000x128xf32>
    %get3A_8 = vector.shape_cast %get3A_7 : vector<1x1000x128xf32> to vector<1000x128xf32>
    %add3A = arith.addf %get3A_3, %get3A_8 : vector<1000x128xf32>
    %get3A_9 = arith.constant 0 : index
    %get3A_10 = arith.constant 0 : index
    %get3A_11 = vector.load %arg2[%get3A_9, %get3A_10] : memref<128x128xf32, #tpu.memory_space<vmem>>, vector<128x128xf32>
    %dot_general3A = arith.constant dense<0.000000e+00> : vector<1000x128xf32>
    %dot_general3A_12 = tpu.matmul %add3A, %get3A_11, %dot_general3A {dimension_numbers = #tpu.dot_dimension_numbers<[1], [0], [0], [1], [0, 0, 1, 1], [], []>, transpose_lhs_hint = false} : vector<1000x128xf32>, vector<128x128xf32>, vector<1000x128xf32> -> vector<1000x128xf32>
    %max3A = arith.constant 0.000000e+00 : f32
    %max3A_13 = vector.broadcast %max3A : f32 to vector<1000x128xf32>
    %max3A_14 = arith.maximumf %dot_general3A_12, %max3A_13 : vector<1000x128xf32>
    %swap3A = arith.constant 0 : index
    %swap3A_15 = arith.constant 0 : index
    %swap3A_16 = vector.load %arg3[%swap3A, %swap3A_15] : memref<1000x128xf32, #tpu.memory_space<vmem>>, vector<1000x128xf32>
    tpu.vector_store %arg3[%swap3A, %swap3A_15], %max3A_14 {strides = array<i32>} : memref<1000x128xf32, #tpu.memory_space<vmem>>, vector<1000x128xf32>,
    return
  }
  func.func @transform_0(%arg0: i32) -> (i32, i32, i32) {
    %c0_i32 = arith.constant 0 : i32
    %c0_i32_0 = arith.constant 0 : i32
    %c0_i32_1 = arith.constant 0 : i32
    return %c0_i32, %arg0, %c0_i32_0 : i32, i32, i32
  }
  func.func @transform_1(%arg0: i32) -> (i32, i32) {
    %c0_i32 = arith.constant 0 : i32
    %c0_i32_0 = arith.constant 0 : i32
    %c0_i32_1 = arith.constant 0 : i32
    return %c0_i32, %c0_i32_0 : i32, i32
  }
  func.func @transform_2(%arg0: i32) -> (i32, i32) {
    %c0_i32 = arith.constant 0 : i32
    %c0_i32_0 = arith.constant 0 : i32
    return %arg0, %c0_i32 : i32, i32
  }
}

module attributes {stable_mosaic.version = 14 : i64} {
  func.func @body(%arg0: i32, %arg1: memref<2x1000x128xf32, #tpu.memory_space<vmem>>, %arg2: memref<128x128xf32, #tpu.memory_space<vmem>>, %arg3: memref<128x64xf32, #tpu.memory_space<vmem>>, %arg4: memref<1000x64xf32, #tpu.memory_space<vmem>>) attributes {dimension_semantics = [#tpu.dimension_semantics<arbitrary>], iteration_bounds = array<i64: 10>, scalar_prefetch = 0 : i64, scratch_operands = 0 : i64, tpu.core_type = #tpu.core_type<tc>, window_params = [{transform_indices = @transform_0, window_bounds = array<i64: 2, 1000, 128>}, {pipeline_mode = #tpu.pipeline_mode<synchronous>, transform_indices = @transform_1, window_bounds = array<i64: 128, 128>}, {pipeline_mode = #tpu.pipeline_mode<synchronous>, transform_indices = @transform_2, window_bounds = array<i64: 128, 64>}, {transform_indices = @transform_3, window_bounds = array<i64: 1000, 64>}]} {
    %get3A = arith.constant 0 : index
    %get3A_0 = arith.constant 0 : index
    %get3A_1 = arith.constant 0 : index
    %get3A_2 = vector.load %arg1[%get3A, %get3A_0, %get3A_1] : memref<2x1000x128xf32, #tpu.memory_space<vmem>>, vector<1x1000x128xf32>
    %get3A_3 = vector.shape_cast %get3A_2 : vector<1x1000x128xf32> to vector<1000x128xf32>
    %get3A_4 = arith.constant 1 : index
    %get3A_5 = arith.constant 0 : index
    %get3A_6 = arith.constant 0 : index
    %get3A_7 = vector.load %arg1[%get3A_4, %get3A_5, %get3A_6] : memref<2x1000x128xf32, #tpu.memory_space<vmem>>, vector<1x1000x128xf32>
    %get3A_8 = vector.shape_cast %get3A_7 : vector<1x1000x128xf32> to vector<1000x128xf32>
    %add3A = arith.addf %get3A_3, %get3A_8 : vector<1000x128xf32>
    %get3A_9 = arith.constant 0 : index
    %get3A_10 = arith.constant 0 : index
    %get3A_11 = vector.load %arg2[%get3A_9, %get3A_10] : memref<128x128xf32, #tpu.memory_space<vmem>>, vector<128x128xf32>
    %dot_general3A = arith.constant dense<0.000000e+00> : vector<1000x128xf32>
    %dot_general3A_12 = tpu.matmul %add3A, %get3A_11, %dot_general3A {dimension_numbers = #tpu.dot_dimension_numbers<[1], [0], [0], [1], [0, 0, 1, 1], [], []>, transpose_lhs_hint = false} : vector<1000x128xf32>, vector<128x128xf32>, vector<1000x128xf32> -> vector<1000x128xf32>
    %max3A = arith.constant 0.000000e+00 : f32
    %max3A_13 = vector.broadcast %max3A : f32 to vector<1000x128xf32>
    %max3A_14 = arith.maximumf %dot_general3A_12, %max3A_13 : vector<1000x128xf32>
    %get3A_15 = arith.constant 0 : index
    %get3A_16 = arith.constant 0 : index
    %get3A_17 = vector.load %arg3[%get3A_15, %get3A_16] : memref<128x64xf32, #tpu.memory_space<vmem>>, vector<128x64xf32>
    %dot_general3A_18 = arith.constant dense<0.000000e+00> : vector<1000x64xf32>
    %dot_general3A_19 = tpu.matmul %max3A_14, %get3A_17, %dot_general3A_18 {dimension_numbers = #tpu.dot_dimension_numbers<[1], [0], [0], [1], [0, 0, 1, 1], [], []>, transpose_lhs_hint = false} : vector<1000x128xf32>, vector<128x64xf32>, vector<1000x64xf32> -> vector<1000x64xf32>
    %gt3A = arith.constant 0.000000e+00 : f32
    %gt3A_20 = vector.broadcast %gt3A : f32 to vector<1000x64xf32>
    %gt3A_21 = arith.cmpf ogt, %dot_general3A_19, %gt3A_20 : vector<1000x64xf32>
    %jit3A = arith.constant 1.000000e+00 : f32
    %jit3A_22 = arith.constant 0.000000e+00 : f32
    %broadcast_in_dim3A = vector.broadcast %jit3A : f32 to vector<1000x64xf32>
    %broadcast_in_dim3A_23 = vector.broadcast %jit3A_22 : f32 to vector<1000x64xf32>
    %select_n3A = arith.select %gt3A_21, %broadcast_in_dim3A, %broadcast_in_dim3A_23 : vector<1000x64xi1>, vector<1000x64xf32>
    %swap3A = arith.constant 0 : index
    %swap3A_24 = arith.constant 0 : index
    %swap3A_25 = vector.load %arg4[%swap3A, %swap3A_24] : memref<1000x64xf32, #tpu.memory_space<vmem>>, vector<1000x64xf32>
    tpu.vector_store %arg4[%swap3A, %swap3A_24], %select_n3A {strides = array<i32>} : memref<1000x64xf32, #tpu.memory_space<vmem>>, vector<1000x64xf32>,
    return
  }
  func.func @transform_0(%arg0: i32) -> (i32, i32, i32) {
    %c0_i32 = arith.constant 0 : i32
    %c0_i32_0 = arith.constant 0 : i32
    %c0_i32_1 = arith.constant 0 : i32
    return %c0_i32, %arg0, %c0_i32_0 : i32, i32, i32
  }
  func.func @transform_1(%arg0: i32) -> (i32, i32) {
    %c0_i32 = arith.constant 0 : i32
    %c0_i32_0 = arith.constant 0 : i32
    %c0_i32_1 = arith.constant 0 : i32
    return %c0_i32, %c0_i32_0 : i32, i32
  }
  func.func @transform_2(%arg0: i32) -> (i32, i32) {
    %c0_i32 = arith.constant 0 : i32
    %c0_i32_0 = arith.constant 0 : i32
    %c0_i32_1 = arith.constant 0 : i32
    return %c0_i32, %c0_i32_0 : i32, i32
  }
  func.func @transform_3(%arg0: i32) -> (i32, i32) {
    %c0_i32 = arith.constant 0 : i32
    %c0_i32_0 = arith.constant 0 : i32
    return %arg0, %c0_i32 : i32, i32
  }
}

</mosaic_0001>

<sc_bundles>
// kernel: kernel.6.cloned.1.call-start
scs
__scs_entry_jumppad:
0x0: {  	(pc) =	sbr.rel $0x88, $3  }
0x1: {  	(tag) =	ssettag $0x0;
	lr =	simm.s32 $0x1  }
0x2: {  	[smem:$0x3F9D] =	sst lr;
	_ =	strace $0xD0000000  }
0x3: {  	_ = 	snop  }
0x4: {  	_ = 	snop  }
0x5: {  	_ = 	snop  }
0x6: {  	_ = 	snop  }
0x7: {  	_ = 	snop  }
__scs_overlays_trampoline_lowered:
0x8: {  	[smem:$0x3FAC] =	sst s0  }
0x9: {  	[smem:$0x3FAD] =	sst s1  }
0xa: {  	[smem:$0x3FAE] =	sst s2  }
0xb: {  	[smem:$0x3FAF] =	sst s3  }
0xc: {  	[smem:$0x3FB0] =	sst s4  }
0xd: {  	[smem:$0x3FB1] =	sst s5  }
0xe: {  	[smem:$0x3FB2] =	sst s6  }
0xf: {  	[smem:$0x3FB3] =	sst s7  }
0x10: {  	[smem:$0x3FB4] =	sst s8  }
0x11: {  	[smem:$0x3FB5] =	sst s9;
	s0 =	simm.s32 @!p0 $0x0  }
0x12: {  	s1 =	sld [smem:$0x3F9B];
	s0 =	simm.s32 @p0 $0x1  }
0x13: {  	[smem:$0x3FB6] =	sst s0;
	s0 =	simm.s32 @!p1 $0x0  }
0x14: {  	s2 =	sld [smem:$0x3F9A];
	s0 =	simm.s32 @p1 $0x1  }
0x15: {  	[smem:$0x3FB7] =	sst s0;
	s0 =	simm.s32 @!p2 $0x0  }
0x16: {  	s3 =	sld [smem:$0x3FDB];
	s0 =	simm.s32 @p2 $0x1  }
0x17: {  	s4 =	simm.s32 $0x1BF5;
	[smem:$0x3FB9] =	sst s0  }
0x18: {  	s0 =	sld [smem:$0x3F9C];
	_ =	swait.ge [sflag:s4], $0x0  }
0x19: {  	s7 =	sld [smem:$0x3F9D]  }
0x1a: {  	s8 =	sadd.s32 $0xFFFFE003, lr  }
0x1b: {  	s9 =	sadd.s32 $0xFFFFFEF7, lr;
	s5 =	simm.s32 $0xFFFFFFFF;
	p2 =	slt.u32 s8, $0xFFFFF086  }
0x1c: {  	p1 =	slt.u32 s9, $0xF7A;
	s5 =	simm.s32 @!p2 $0x0  }
0x1d: {  	s5 =	simm.s32 @p1 $0x1;
	p0 =	seq.s32 s7, s2  }
0x1e: {  	s7 =	smul.u32 @!p0 $0xF7A, s2;
	p2 =	seq.s32 @!p0 s5, $0x0  }
0x1f: {  	s9 =	smul.u32 $0xF7A, s1;
	s8 =	simm.s32 @!p0 $0x1BF5;
	p2 =	por !p2, p0  }
0x20: {  	[sflag:s8] =	ssyncset.s32 @!p0 $0xFFFFF086;
	s6 =	sadd.s32 @!p0 s3, s7;
	s7 =	simm.s32 @!p0 $0x108  }
0x21: {  	s3 =	sadd.s32 s3, s9;
	s6 =	sadd.s32 @!p0 $0x88, s6;
	s7 =	simm.s32 @p2 $0x1082  }
0x22: {  	[simem:s7], [sflag:s8] =	dma.local @!p0 [hbm:s6], $0xF7A  }
0x23: {  	s9 =	sor.u32 $0xD0000000, s2;
	s6 =	simm.s32 $0x108;
	_ =	swait.ge @!p0 [sflag:s8], $0x0  }
0x24: {  	s3 =	sadd.s32 $0x88, s3;
	s6 =	simm.s32 @!p1 $0x1082;
	[sflag:s4] =	ssyncset.s32 $0xFFFFF086  }
0x25: {  	[simem:s6], [sflag:s4] =	dma.local [hbm:s3], $0xF7A  }
0x26: {  	[smem:$0x3F9D] =	sst s1;
	(tag) =	ssettag s2;
	_ =	strace s9  }
0x27: {  	s1 =	sld [smem:$0x3FAD]  }
0x28: {  	s2 =	sld [smem:$0x3FAE]  }
0x29: {  	s4 =	sld [smem:$0x3FB0]  }
0x2a: {  	p0 =	seq.s32 s5, $0x0;
	s5 =	sld [smem:$0x3FB1]  }
0x2b: {  	s6 =	sld [smem:$0x3FB2]  }
0x2c: {  	s7 =	sld [smem:$0x3FB3]  }
0x2d: {  	s3 =	simm.s32 $0x108;
	s8 =	sld [smem:$0x3FB4]  }
0x2e: {  	s3 =	simm.s32 @!p0 $0x1082;
	s9 =	sld [smem:$0x3FB5]  }
0x2f: {  	lr =	sadd.s32 s0, s3;
	s0 =	sld [smem:$0x3FAC]  }
0x30: {  	s3 =	sld [smem:$0x3FAF]  }
0x31: {  	[smem:$0x3FB8] =	sst s10  }
0x32: {  	s10 =	sld [smem:$0x3FB6];
	_ =	sdelay $0x3  }
0x33: {  	p0 =	seq.s32 s10, $0x1;
	s10 =	sld [smem:$0x3FB8];
	_ =	sdelay $0x3  }
0x34: {  	[smem:$0x3FB8] =	sst s10  }
0x35: {  	s10 =	sld [smem:$0x3FB7];
	_ =	sdelay $0x3  }
0x36: {  	p1 =	seq.s32 s10, $0x1;
	s10 =	sld [smem:$0x3FB8];
	_ =	sdelay $0x3  }
0x37: {  	[smem:$0x3FB8] =	sst s10  }
0x38: {  	s10 =	sld [smem:$0x3FB9]  }
0x39: {  	_ = 	snop;
	(pc) =	sbr.ind lr, $3  }
0x3a: {  	_ = 	snop  }
0x3b: {  	_ = 	snop  }
0x3c: {  	p2 =	seq.s32 s10, $0x1;
	s10 =	sld [smem:$0x3FB8]  }
0x3d: {  	_ =	shalt  }
0x3e: {  	_ =	shalt  }
0x3f: {  	_ =	shalt  }
0x40: {  	_ =	shalt  }
0x41: {  	_ =	shalt  }
0x42: {  	_ =	shalt  }
0x43: {  	_ =	shalt  }
0x44: {  	_ =	shalt  }
0x45: {  	_ =	shalt  }
0x46: {  	_ =	shalt  }
0x47: {  	_ =	shalt  }
0x48: {  	_ =	shalt  }
0x49: {  	_ =	shalt  }
0x4a: {  	_ =	shalt  }
0x4b: {  	_ =	shalt  }
0x4c: {  	_ =	shalt  }
0x4d: {  	_ =	shalt  }
0x4e: {  	_ =	shalt  }
0x4f: {  	_ =	shalt  }
0x50: {  	_ =	shalt  }
0x51: {  	_ =	shalt  }
0x52: {  	_ =	shalt  }
0x53: {  	_ =	shalt  }
0x54: {  	_ =	shalt  }
0x55: {  	_ =	shalt  }
0x56: {  	_ =	shalt  }
0x57: {  	_ =	shalt  }
0x58: {  	_ =	shalt  }
0x59: {  	_ =	shalt  }
0x5a: {  	_ =	shalt  }
0x5b: {  	_ =	shalt  }
0x5c: {  	_ =	shalt  }
0x5d: {  	_ =	shalt  }
0x5e: {  	_ =	shalt  }
0x5f: {  	_ =	shalt  }
0x60: {  	_ =	shalt  }
0x61: {  	_ =	shalt  }
0x62: {  	_ =	shalt  }
0x63: {  	_ =	shalt  }
0x64: {  	_ =	shalt  }
0x65: {  	_ =	shalt  }
0x66: {  	_ =	shalt  }
0x67: {  	_ =	shalt  }
0x68: {  	_ =	shalt  }
0x69: {  	_ =	shalt  }
0x6a: {  	_ =	shalt  }
0x6b: {  	_ =	shalt  }
0x6c: {  	_ =	shalt  }
0x6d: {  	_ =	shalt  }
0x6e: {  	_ =	shalt  }
0x6f: {  	_ =	shalt  }
0x70: {  	_ =	shalt  }
0x71: {  	_ =	shalt  }
0x72: {  	_ =	shalt  }
0x73: {  	_ =	shalt  }
0x74: {  	_ =	shalt  }
0x75: {  	_ =	shalt  }
0x76: {  	_ =	shalt  }
0x77: {  	_ =	shalt  }
0x78: {  	_ =	shalt  }
0x79: {  	_ =	shalt  }
0x7a: {  	_ =	shalt  }
0x7b: {  	_ =	shalt  }
0x7c: {  	_ =	shalt  }
0x7d: {  	_ =	shalt  }
0x7e: {  	_ =	shalt  }
0x7f: {  	_ =	shalt  }
0x80: {  	_ =	shalt  }
0x81: {  	_ =	shalt  }
0x82: {  	_ =	shalt  }
0x83: {  	_ =	shalt  }
0x84: {  	_ =	shalt  }
0x85: {  	_ =	shalt  }
0x86: {  	_ =	shalt  }
0x87: {  	_ =	shalt  }
.Lfunc_end0:
.L_simem_size_0:
called_computation_lowered:
.L_overlay_start_0:
0x88: {  	s2 =	sld [smem:$0x3FD9]  }
0x89: {  	s3 =	sld [smem:$0x3FFE];
	_ =	sdelay $0x1  }
0x8a: {  	s1 =	srdreg.scid  }
0x8b: {  	s0 =	sand.u32 $0x1, s1  }
0x8c: {  	s17 =	sshll.u32 s0, $0xA;
	s2 =	sadd.s32 s3, s2  }
0x8d: {  	s2 =	sadd.s32 s2, s17  }
0x8e: {  	[smem:$0x3FC4] =	sst s2  }
0x8f: {  	_ = 	snop  }
0x90: {  	s2 =	sld [smem:$0x3FC9]  }
0x91: {  	s18 =	sld [smem:$0x3FD0];
	(tm) =	ssettm $0x1  }
0x92: {  	s4 =	sld [smem:$0x3FFB];
	_ =	sdelay $0x3  }
0x93: {  	_ =	strace s4  }
0x94: {  	s4 =	sld [smem:$0x3FFC];
	_ =	sdelay $0x3  }
0x95: {  	_ =	strace s4  }
0x96: {  	s4 =	sld [smem:$0x3FFD];
	_ =	sdelay $0x3  }
0x97: {  	_ =	strace s4  }
0x98: {  	_ =	strace $0x8FFFFFFF  }
0x99: {  	s19 =	sld [smem:$0x3FDB];
	_ =	sdelay $0x1  }
0x9a: {  	s5 =	simm.s32 $_scs_section_size  }
0x9b: {  	s6 =	simm.s32 $_size__tile_overlayer_lowered;
	s7 =	simm.s32 $_tile_overlayer_lowered  }
0x9c: {  	s22 =	simm.s32 $0x1BFF;
	s21 =	sshll.u32 s7, $0x1;
	s4 =	sadd.s32 s5, s19  }
0x9d: {  	s8 =	simm.s32 $0x0;
	s20 =	sshll.u32 s6, $0x1;
	s6 =	sadd.s32 s21, s4  }
0x9e: {  	[timem:s8], [sflag:s22] =	dma.local [hbm:s6], s20  }
0x9f: {  	_ =	swait.ge [sflag:s22], s20  }
0xa0: {  	s5 =	ssub.s32 $0x0, s20;
	[sflag:s22] =	ssyncset.done $0x0  }
0xa1: {  	[sflag:s22] =	ssyncadd.s32 s5;
	_ =	sdelay $0x1  }
0xa2: {  	s23 =	simm.s32 $0x1B8B  }
0xa3: {  	_ =	swait.ge [sflag:s23], $0x1  }
0xa4: {  	[sflag:s23] =	ssyncset.done $0x0  }
0xa5: {  	s25 =	simm.s32 $0x1B8E;
	s24 =	sld [smem:$0x3FFE];
	[sflag:s23] =	ssyncadd.s32 $0xFFFFFFFF  }
0xa6: {  	s26 =	simm.s32 $execute0_lowered;
	[smem:$0x3FD2] =	sst s25  }
0xa7: {  	s6 =	sshll.u32 s26, $0x1;
	_ =	strace $0x80000046;
	[dreg:$0x1] =	wrdreg $0xFFFFFFFF  }
0xa8: {  	s28 =	simm.s32 $_size_execute0_lowered;
	s4 =	sadd.s32 s4, s6;
	[dreg:$0x0] =	wrdreg $0x0  }
0xa9: {  	s6 =	sshll.u32 s28, $0x1;
	[dreg:$0x2] =	wrdreg s4  }
0xaa: {  	[dreg:$0x3] =	wrdreg s6  }
0xab: {  	[dreg:$0x4] =	wrdreg $0xC0  }
0xac: {  	_ =	task [dreg:s8], $0x5FFFF  }
0xad: {  	[dreg:$0x1] =	wrdreg $0xFFFFFFFF  }
0xae: {  	[dreg:$0x0] =	wrdreg $0x60  }
0xaf: {  	[dreg:$0x2] =	wrdreg s2  }
0xb0: {  	[dreg:$0x3] =	wrdreg s24  }
0xb1: {  	[dreg:$0x4] =	wrdreg s18  }
0xb2: {  	[dreg:$0x5] =	wrdreg $0xC6200  }
0xb3: {  	[dreg:$0x6] =	wrdreg $0x9  }
0xb4: {  	_ =	task.clear_ibuf [dreg:s8], $0x7FFFF;
	_ =	strace $0x90000046  }
0xb5: {  	s29 =	simm.s32 $0x9;
	_ =	strace $0x80000048  }
0xb6: {  	_ =	swait.ge [sflag:s29], $0x1  }
0xb7: {  	[sflag:s29] =	ssyncadd.s32 $0xFFFFFFFF  }
0xb8: {  	_ =	strace $0x90000048  }
0xb9: {  	_ =	sfence  }
0xba: {  	s30 =	sld [smem:$0x0];
	_ =	sdelay $0x2  }
0xbb: {  	s31 =	sshll.u32 s1, $0xD;
	s1 =	sshrl.u32 s1, $0x2  }
0xbc: {  	s3 =	sand.u32 $0x4000, s31;
	s1 =	sadd.s32 s1, s30  }
0xbd: {  	s0 =	sor.u32 s3, s0;
	s1 =	sshll.u32 s1, $0x11  }
0xbe: {  	s0 =	sor.u32 s1, s0  }
0xbf: {  	s0 =	sadd.s32 $0x8F2B, s0  }
0xc0: {  	[sflag:s0] =	ssyncadd.remote.s32 $0x1  }
0xc1: {  	_ =	sfence.sel $0xFFFF  }
0xc2: {  	[dreg:$0x0] =	wrdreg $0xFFFFFFFF;
	(pc) =	sbr.abs _section_cstart, $3  }
0xc3: {  	[dreg:$0x1] =	wrdreg $0xFFFFFFFF  }
0xc4: {  	_ =	task.clear_ibuf [dreg:s8], $0x2FFFF;
	_ =	strace $0x9FFFFFFF  }
0xc5: {  	(tm) =	ssettm $0x7FFFFFFF  }
tec
execute0_lowered:
.L_overlay_start_1:
0x0: {  	(tag) =	ssettag $0x1  }
0x1: {  	s0 =	rddreg [dreg:$0x0]  }
0x2: {  	s1 =	rddreg [dreg:$0x1]  }
0x3: {  	s2 =	srdreg.scid;
	s7 =	rddreg [dreg:$0x2]  }
0x4: {  	s3 =	rddreg [dreg:$0x3];
	s25 =	stileid.u32  }
0x5: {  	s4 =	simm.s32 $0x0;
	s14 =	simm.s32 $0x4E20;
	s15 =	simm.s32 $0x7620  }
0x6: {  	s19 =	simm.s32 $0x1;
	s20 =	simm.s32 $0x9E20;
	s21 =	simm.s32 $0x2  }
0x7: {  	s22 =	simm.s32 $0x4;
	s23 =	simm.s32 $0x3;
	s24 =	simm.s32 $0x5  }
0x8: {  	s28 =	simm.s32 $0x6;
	s29 =	simm.s32 $0x0;
	s6 =	sand.u32 $0x1, s2  }
0x9: {  	[smem:$0x7FF] =	sst s4;
	s11 =	smul.u32 $0x13800, s25;
	s18 =	sadd.s32 $0x138000, s3  }
0xa: {  	p0 =	sne.s32 s25, $0xF;
	s31 =	sshll.u32 s25, $0x6;
	s5 =	sshll.u32 s6, $0x4  }
0xb: {  	_ =	strace $0x80000047;
	s10 =	ssub.s32 $0x2, s6;
	s13 =	smul.u32 $0x138800, s6  }
0xc: {  	s16 =	sor.u32 $0x1C07, s31;
	s18 =	sshrl.u32 @!p0 s18, $0x3;
	s5 =	sor.u32 s25, s5  }
0xd: {  	s12 =	sshrl.u32 s10, $0x1;
	s17 =	sadd.s32 s11, s3;
	s25 =	simm.s32 $0x4D80  }
0xe: {  	s8 =	smul.u32 $0x4E2, s5;
	s5 =	sadd.s32 $0xAA00, s1;
	s10 =	ssub.s32 s10, s12  }
0xf: {  	s26 =	sadd.s32 s11, s13;
	s30 =	sshrl.u32 s13, $0x3;
	s11 =	simm.s32 $0x7  }
0x10: {  	s13 =	simm.s32 $0x50;
	s17 =	sshrl.u32 s17, $0x3;
	s10 =	smax.u32 s10, $0x1  }
0x11: {  	s9 =	sadd.s32 s8, s1;
	s1 =	sadd.s32 $0xD200, s1;
	s7 =	sadd.s32 s7, s8  }
0x12: {  	s8 =	sshrl.u32 s26, $0x3;
	s6 =	sadd.s32 $0xC00, s9;
	s9 =	sadd.s32 s1, s30  }
0x13: {  	s26 =	simm.s32 $0x4DD0;
	s8 =	sadd.s32 s1, s8;
	s9 =	sadd.s32 $0x27000, s9  }
.LBB2_1:
0x14: {  	[tilespmem:s4], [sflag:$0x7] =	stream.linear.gather [hbm4b:s6+s4], $0x2710, $0x38;
	[tilespmem:$0x1FEA0] =	vst v63  }
0x15: {  	_ =	swait.ge [sflag:s11], $0x2710  }
0x16: {  	[sflag:s11] =	ssyncset.done $0x0  }
0x17: {  	s1 =	simm.s32 $0x2710;
	[sflag:s11] =	ssyncadd.s32 $0xFFFFD8F0  }
0x18: {  	[tilespmem:s1], [sflag:$0x7] =	stream.linear.gather [hbm4b:s7+s4], $0x2710, $0x38;
	[tilespmem:$0x1FEA0] =	vst v63  }
0x19: {  	_ =	swait.ge [sflag:s11], $0x2710  }
0x1a: {  	[sflag:s11] =	ssyncset.done $0x0  }
0x1b: {  	[sflag:s11] =	ssyncadd.s32 $0xFFFFD8F0  }
0x1c: {  	[tilespmem:s14], [sflag:$0x1] =	stream.indirect.gather [hbm4b:s0+s13], $0x80, s4, s13, $0xb8;
	[tilespmem:$0x1FEA0] =	vst v63  }
0x1d: {  	_ = 	snop  }
0x1e: {  	[tilespmem:s15], [sflag:$0x2] =	stream.indirect.gather [hbm4b:s0+s13], $0x80, s13, s13, $0xb8;
	[tilespmem:$0x1FEA0] =	vst v63  }
0x1f: {  	[spmem:s17], [sflag:s16] =	dma.local [hbm:s5], $0x2700  }
0x20: {  	_ =	swait.ge [sflag:s11], $0x2700  }
0x21: {  	[sflag:s11] =	ssyncset.done $0x0  }
0x22: {  	s1 =	simm.s32 @!p0 $0x7;
	[sflag:s11] =	ssyncadd.s32 $0xFFFFD900  }
0x23: {  	[spmem:s18], [sflag:s16] =	dma.local @!p0 [hbm:s5], $0x100  }
0x24: {  	_ =	swait.ge @!p0 [sflag:s1], $0x100  }
0x25: {  	[sflag:s1] =	ssyncset.done @!p0 $0x0  }
0x26: {  	[sflag:s1] =	ssyncadd.s32 @!p0 $0xFFFFFF00  }
0x27: {  	[bflag:$0x0] =	sbarrier.arrive $0xFFFF  }
0x28: {  	_ =	swait.ge [sflag:s19], $0x2800  }
0x29: {  	p1 =	por $0x1, $0x1;
	[sflag:s19] =	ssyncset.done $0x0  }
0x2a: {  	s12 =	simm.s32 $0x2710;
	s30 =	simm.s32 @!p1 $0x6;
	[sflag:s19] =	ssyncadd.s32 $0xFFFFD800  }
0x2b: {  	[spmem:s3] =	stream.indirect.scatter.add.f32 [tilespmem:s14], [sflag:$0x4], $0x80, s12, s13, $0xb8;
	[tilespmem:$0x1FEA0] =	vst v63  }
0x2c: {  	_ =	swait.ge @!p1 [sflag:s30], $0x2800  }
0x2d: {  	[sflag:s30] =	ssyncset.done @!p1 $0x0  }
0x2e: {  	s2 =	simm.s32 $0xA0;
	[sflag:s30] =	ssyncadd.s32 @!p1 $0xFFFFD800  }
0x2f: {  	[tilespmem:s20], [sflag:$0x3] =	stream.indirect.gather [hbm4b:s0+s13], $0x80, s2, s13, $0xb8;
	[tilespmem:$0x1FEA0] =	vst v63  }
0x30: {  	_ =	swait.ge [sflag:s21], $0x2800  }
0x31: {  	[sflag:s21] =	ssyncset.done $0x0  }
0x32: {  	s12 =	simm.s32 $0x2760;
	[sflag:s21] =	ssyncadd.s32 $0xFFFFD800  }
0x33: {  	[spmem:s3] =	stream.indirect.scatter.add.f32 [tilespmem:s15], [sflag:$0x5], $0x80, s12, s13, $0xb8;
	[tilespmem:$0x1FEA0] =	vst v63  }
0x34: {  	_ =	swait.ge [sflag:s22], $0x2800  }
0x35: {  	[sflag:s22] =	ssyncset.done $0x0  }
0x36: {  	s2 =	simm.s32 $0xF0;
	[sflag:s22] =	ssyncadd.s32 $0xFFFFD800  }
0x37: {  	[tilespmem:s14], [sflag:$0x1] =	stream.indirect.gather [hbm4b:s0+s13], $0x80, s2, s13, $0xb8;
	[tilespmem:$0x1FEA0] =	vst v63  }
0x38: {  	_ =	swait.ge [sflag:s23], $0x2800  }
0x39: {  	[sflag:s23] =	ssyncset.done $0x0  }
0x3a: {  	s12 =	simm.s32 $0x27B0;
	[sflag:s23] =	ssyncadd.s32 $0xFFFFD800  }
0x3b: {  	[spmem:s3] =	stream.indirect.scatter.add.f32 [tilespmem:s20], [sflag:$0x6], $0x80, s12, s13, $0xb8;
	[tilespmem:$0x1FEA0] =	vst v63  }
0x3c: {  	s31 =	simm.s32 $0x3C0;
	_ =	swait.ge [sflag:s24], $0x2800  }
0x3d: {  	s1 =	simm.s32 $0x140;
	s30 =	simm.s32 $0xFFFFFFFF;
	[sflag:s24] =	ssyncset.done $0x0  }
.LBB2_2:
0x3e: {  	[sflag:s24] =	ssyncadd.s32 $0xFFFFD800  }
0x3f: {  	s30 =	sadd.s32 $0x3, s30;
	s2 =	smov.u32 s31;
	s31 =	sadd.s32 $0x3C0, s31  }
0x40: {  	[tilespmem:s15], [sflag:$0x2] =	stream.indirect.gather [hbm4b:s0+s13], $0x80, s1, s13, $0xb8;
	[tilespmem:$0x1FEA0] =	vst v63  }
0x41: {  	s1 =	sshra.s32 s2, $0x2;
	p1 =	sne.s32 s31, $0x99C0;
	_ =	swait.ge [sflag:s19], $0x2800  }
0x42: {  	p2 =	sgt.u32 s30, $0x79;
	s2 =	sadd.s32 $0x2710, s1;
	[sflag:s19] =	ssyncset.done $0x0  }
0x43: {  	s12 =	simm.s32 @!p2 $0x6;
	[sflag:s19] =	ssyncadd.s32 $0xFFFFD800  }
0x44: {  	[spmem:s3] =	stream.indirect.scatter.add.f32 [tilespmem:s14], [sflag:$0x4], $0x80, s2, s13, $0xb8;
	[tilespmem:$0x1FEA0] =	vst v63  }
0x45: {  	_ =	swait.ge @!p2 [sflag:s12], $0x2800  }
0x46: {  	s2 =	sadd.s32 $0xA0, s1;
	[sflag:s12] =	ssyncset.done @!p2 $0x0  }
0x47: {  	[sflag:s12] =	ssyncadd.s32 @!p2 $0xFFFFD800  }
0x48: {  	[tilespmem:s20], [sflag:$0x3] =	stream.indirect.gather [hbm4b:s0+s13], $0x80, s2, s13, $0xb8;
	[tilespmem:$0x1FEA0] =	vst v63  }
0x49: {  	_ =	swait.ge [sflag:s21], $0x2800  }
0x4a: {  	s2 =	sadd.s32 $0x2760, s1;
	[sflag:s21] =	ssyncset.done $0x0  }
0x4b: {  	[sflag:s21] =	ssyncadd.s32 $0xFFFFD800  }
0x4c: {  	[spmem:s3] =	stream.indirect.scatter.add.f32 [tilespmem:s15], [sflag:$0x5], $0x80, s2, s13, $0xb8;
	[tilespmem:$0x1FEA0] =	vst v63  }
0x4d: {  	_ =	swait.ge [sflag:s22], $0x2800  }
0x4e: {  	s2 =	sadd.s32 $0xF0, s1;
	[sflag:s22] =	ssyncset.done $0x0  }
0x4f: {  	[sflag:s22] =	ssyncadd.s32 $0xFFFFD800  }
0x50: {  	[tilespmem:s14], [sflag:$0x1] =	stream.indirect.gather [hbm4b:s0+s13], $0x80, s2, s13, $0xb8;
	[tilespmem:$0x1FEA0] =	vst v63  }
0x51: {  	_ =	swait.ge [sflag:s23], $0x2800  }
.Ltmp0:
0x52: {  	s2 =	sadd.s32 $0x27B0, s1;
	[sflag:s23] =	ssyncset.done $0x0;
	(pc) =	sbr.rel @p1 .LBB2_2-.Ltmp0, $4  }
0x53: {  	[sflag:s23] =	ssyncadd.s32 $0xFFFFD800  }
0x54: {  	[spmem:s3] =	stream.indirect.scatter.add.f32 [tilespmem:s20], [sflag:$0x6], $0x80, s2, s13, $0xb8;
	[tilespmem:$0x1FEA0] =	vst v63  }
0x55: {  	_ =	swait.ge [sflag:s24], $0x2800  }
0x56: {  	s1 =	sadd.s32 $0x140, s1;
	[sflag:s24] =	ssyncset.done $0x0  }
0x57: {  	[sflag:s24] =	ssyncadd.s32 $0xFFFFD800  }
0x58: {  	[tilespmem:s15], [sflag:$0x2] =	stream.indirect.gather [hbm4b:s0+s13], $0x80, s1, s13, $0xb8;
	[tilespmem:$0x1FEA0] =	vst v63  }
0x59: {  	_ =	swait.ge [sflag:s19], $0x2800  }
0x5a: {  	[sflag:s19] =	ssyncset.done $0x0  }
0x5b: {  	[sflag:s19] =	ssyncadd.s32 $0xFFFFD800  }
0x5c: {  	[spmem:s3] =	stream.indirect.scatter.add.f32 [tilespmem:s14], [sflag:$0x4], $0x80, s25, s13, $0xb8;
	[tilespmem:$0x1FEA0] =	vst v63  }
0x5d: {  	_ =	swait.ge [sflag:s21], $0x2800  }
0x5e: {  	[sflag:s21] =	ssyncset.done $0x0  }
0x5f: {  	[sflag:s21] =	ssyncadd.s32 $0xFFFFD800  }
0x60: {  	[spmem:s3] =	stream.indirect.scatter.add.f32 [tilespmem:s15], [sflag:$0x5], $0x80, s26, s13, $0xb8;
	[tilespmem:$0x1FEA0] =	vst v63  }
0x61: {  	_ =	swait.ge [sflag:s28], $0x2800  }
0x62: {  	[sflag:s28] =	ssyncset.done $0x0  }
0x63: {  	[sflag:s28] =	ssyncadd.s32 $0xFFFFD800  }
0x64: {  	_ =	swait.ge [sflag:s22], $0x2800  }
0x65: {  	[sflag:s22] =	ssyncset.done $0x0  }
0x66: {  	[sflag:s22] =	ssyncadd.s32 $0xFFFFD800  }
0x67: {  	_ =	swait.ge [sflag:s24], $0x2800  }
0x68: {  	[sflag:s24] =	ssyncset.done $0x0  }
0x69: {  	[sflag:s24] =	ssyncadd.s32 $0xFFFFD800  }
0x6a: {  	[bflag:$0x0] =	sbarrier.arrive $0xFFFF  }
0x6b: {  	[hbm:s8], [sflag:s16] =	dma.local [spmem:s17], $0x2700  }
0x6c: {  	s29 =	sadd.s32 $0x1, s29;
	_ =	swait.ge [sflag:s11], $0x2700  }
0x6d: {  	p1 =	sne.s32 s29, s10;
	[sflag:s11] =	ssyncset.done $0x0  }
.Ltmp1:
0x6e: {  	s1 =	simm.s32 @!p0 $0x7;
	[sflag:s11] =	ssyncadd.s32 $0xFFFFD900;
	(pc) =	sbr.rel @p1 .LBB2_1-.Ltmp1, $4  }
0x6f: {  	[hbm:s9], [sflag:s16] =	dma.local @!p0 [spmem:s18], $0x100  }
0x70: {  	_ =	swait.ge @!p0 [sflag:s1], $0x100  }
0x71: {  	[sflag:s1] =	ssyncset.done @!p0 $0x0  }
0x72: {  	[sflag:s1] =	ssyncadd.s32 @!p0 $0xFFFFFF00  }
0x73: {  	_ =	sfence.sel $0x180000  }
0x74: {  	[bflag:$0x0] =	sbarrier.arrive $0xFFFF  }
0x75: {  	_ =	strace $0x90000047  }
0x76: {  	s0 =	stileid.u32;
	[bflag:$0x2] =	sbarrier.arrive $0xFFFF  }
0x77: {  	p0 =	sne.s32 s0, $0x0;
	s0 =	rddreg [dreg:$0x4]  }
0x78: {  	s0 =	sadd.s32 @!p0 $0x100000, s0  }
0x79: {  	[sflag:s0] =	ssyncadd.tile.s32 @!p0 $0x1;
	_ =	shalt  }
.Lfunc_end2:
_tile_overlayer_lowered:
.L_overlay_start_2:
0x7a: {  	(tag) =	ssettag $0x2  }
0x7b: {  	s0 =	rddreg [dreg:$0x0];
	s2 =	stileid.u32  }
0x7c: {  	s1 =	rddreg [dreg:$0x1];
	p0 =	sne.s32 s2, $0x0  }
0x7d: {  	s3 =	rddreg [dreg:$0x2];
	[bflag:$0x3] =	sbarrier.arrive $0xFFFF;
	s2 =	simm.s32 @!p0 $0x1C07  }
0x7e: {  	[timem:s3], [sflag:s2] =	dma.local @!p0 [hbm:s0], s1  }
0x7f: {  	s0 =	simm.s32 @!p0 $0x7  }
0x80: {  	_ =	swait.ge @!p0 [sflag:s0], s1  }
0x81: {  	s1 =	ssub.s32 @!p0 $0x0, s1;
	[sflag:s0] =	ssyncset.done @!p0 $0x0  }
0x82: {  	[sflag:s0] =	ssyncadd.s32 @!p0 s1  }
0x83: {  	[bflag:$0x3] =	sbarrier.arrive $0xFFFF  }
0x84: {  	_ =	shalt  }

// kernel: kernel.9.cloned.1.call-start
scs
__scs_entry_jumppad:
0x0: {  	(pc) =	sbr.rel $0x88, $3  }
0x1: {  	(tag) =	ssettag $0x0;
	lr =	simm.s32 $0x1  }
0x2: {  	[smem:$0x3F9D] =	sst lr;
	_ =	strace $0xD0000000  }
0x3: {  	_ = 	snop  }
0x4: {  	_ = 	snop  }
0x5: {  	_ = 	snop  }
0x6: {  	_ = 	snop  }
0x7: {  	_ = 	snop  }
__scs_overlays_trampoline_lowered:
0x8: {  	[smem:$0x3FAC] =	sst s0  }
0x9: {  	[smem:$0x3FAD] =	sst s1  }
0xa: {  	[smem:$0x3FAE] =	sst s2  }
0xb: {  	[smem:$0x3FAF] =	sst s3  }
0xc: {  	[smem:$0x3FB0] =	sst s4  }
0xd: {  	[smem:$0x3FB1] =	sst s5  }
0xe: {  	[smem:$0x3FB2] =	sst s6  }
0xf: {  	[smem:$0x3FB3] =	sst s7  }
0x10: {  	[smem:$0x3FB4] =	sst s8  }
0x11: {  	[smem:$0x3FB5] =	sst s9;
	s0 =	simm.s32 @!p0 $0x0  }
0x12: {  	s1 =	sld [smem:$0x3F9B];
	s0 =	simm.s32 @p0 $0x1  }
0x13: {  	[smem:$0x3FB6] =	sst s0;
	s0 =	simm.s32 @!p1 $0x0  }
0x14: {  	s2 =	sld [smem:$0x3F9A];
	s0 =	simm.s32 @p1 $0x1  }
0x15: {  	[smem:$0x3FB7] =	sst s0;
	s0 =	simm.s32 @!p2 $0x0  }
0x16: {  	s3 =	sld [smem:$0x3FDB];
	s0 =	simm.s32 @p2 $0x1  }
0x17: {  	s4 =	simm.s32 $0x1BF5;
	[smem:$0x3FB9] =	sst s0  }
0x18: {  	s0 =	sld [smem:$0x3F9C];
	_ =	swait.ge [sflag:s4], $0x0  }
0x19: {  	s7 =	sld [smem:$0x3F9D]  }
0x1a: {  	s8 =	sadd.s32 $0xFFFFE003, lr  }
0x1b: {  	s9 =	sadd.s32 $0xFFFFFEF7, lr;
	s5 =	simm.s32 $0xFFFFFFFF;
	p2 =	slt.u32 s8, $0xFFFFF086  }
0x1c: {  	p1 =	slt.u32 s9, $0xF7A;
	s5 =	simm.s32 @!p2 $0x0  }
0x1d: {  	s5 =	simm.s32 @p1 $0x1;
	p0 =	seq.s32 s7, s2  }
0x1e: {  	s7 =	smul.u32 @!p0 $0xF7A, s2;
	p2 =	seq.s32 @!p0 s5, $0x0  }
0x1f: {  	s9 =	smul.u32 $0xF7A, s1;
	s8 =	simm.s32 @!p0 $0x1BF5;
	p2 =	por !p2, p0  }
0x20: {  	[sflag:s8] =	ssyncset.s32 @!p0 $0xFFFFF086;
	s6 =	sadd.s32 @!p0 s3, s7;
	s7 =	simm.s32 @!p0 $0x108  }
0x21: {  	s3 =	sadd.s32 s3, s9;
	s6 =	sadd.s32 @!p0 $0x88, s6;
	s7 =	simm.s32 @p2 $0x1082  }
0x22: {  	[simem:s7], [sflag:s8] =	dma.local @!p0 [hbm:s6], $0xF7A  }
0x23: {  	s9 =	sor.u32 $0xD0000000, s2;
	s6 =	simm.s32 $0x108;
	_ =	swait.ge @!p0 [sflag:s8], $0x0  }
0x24: {  	s3 =	sadd.s32 $0x88, s3;
	s6 =	simm.s32 @!p1 $0x1082;
	[sflag:s4] =	ssyncset.s32 $0xFFFFF086  }
0x25: {  	[simem:s6], [sflag:s4] =	dma.local [hbm:s3], $0xF7A  }
0x26: {  	[smem:$0x3F9D] =	sst s1;
	(tag) =	ssettag s2;
	_ =	strace s9  }
0x27: {  	s1 =	sld [smem:$0x3FAD]  }
0x28: {  	s2 =	sld [smem:$0x3FAE]  }
0x29: {  	s4 =	sld [smem:$0x3FB0]  }
0x2a: {  	p0 =	seq.s32 s5, $0x0;
	s5 =	sld [smem:$0x3FB1]  }
0x2b: {  	s6 =	sld [smem:$0x3FB2]  }
0x2c: {  	s7 =	sld [smem:$0x3FB3]  }
0x2d: {  	s3 =	simm.s32 $0x108;
	s8 =	sld [smem:$0x3FB4]  }
0x2e: {  	s3 =	simm.s32 @!p0 $0x1082;
	s9 =	sld [smem:$0x3FB5]  }
0x2f: {  	lr =	sadd.s32 s0, s3;
	s0 =	sld [smem:$0x3FAC]  }
0x30: {  	s3 =	sld [smem:$0x3FAF]  }
0x31: {  	[smem:$0x3FB8] =	sst s10  }
0x32: {  	s10 =	sld [smem:$0x3FB6];
	_ =	sdelay $0x3  }
0x33: {  	p0 =	seq.s32 s10, $0x1;
	s10 =	sld [smem:$0x3FB8];
	_ =	sdelay $0x3  }
0x34: {  	[smem:$0x3FB8] =	sst s10  }
0x35: {  	s10 =	sld [smem:$0x3FB7];
	_ =	sdelay $0x3  }
0x36: {  	p1 =	seq.s32 s10, $0x1;
	s10 =	sld [smem:$0x3FB8];
	_ =	sdelay $0x3  }
0x37: {  	[smem:$0x3FB8] =	sst s10  }
0x38: {  	s10 =	sld [smem:$0x3FB9]  }
0x39: {  	_ = 	snop;
	(pc) =	sbr.ind lr, $3  }
0x3a: {  	_ = 	snop  }
0x3b: {  	_ = 	snop  }
0x3c: {  	p2 =	seq.s32 s10, $0x1;
	s10 =	sld [smem:$0x3FB8]  }
0x3d: {  	_ =	shalt  }
0x3e: {  	_ =	shalt  }
0x3f: {  	_ =	shalt  }
0x40: {  	_ =	shalt  }
0x41: {  	_ =	shalt  }
0x42: {  	_ =	shalt  }
0x43: {  	_ =	shalt  }
0x44: {  	_ =	shalt  }
0x45: {  	_ =	shalt  }
0x46: {  	_ =	shalt  }
0x47: {  	_ =	shalt  }
0x48: {  	_ =	shalt  }
0x49: {  	_ =	shalt  }
0x4a: {  	_ =	shalt  }
0x4b: {  	_ =	shalt  }
0x4c: {  	_ =	shalt  }
0x4d: {  	_ =	shalt  }
0x4e: {  	_ =	shalt  }
0x4f: {  	_ =	shalt  }
0x50: {  	_ =	shalt  }
0x51: {  	_ =	shalt  }
0x52: {  	_ =	shalt  }
0x53: {  	_ =	shalt  }
0x54: {  	_ =	shalt  }
0x55: {  	_ =	shalt  }
0x56: {  	_ =	shalt  }
0x57: {  	_ =	shalt  }
0x58: {  	_ =	shalt  }
0x59: {  	_ =	shalt  }
0x5a: {  	_ =	shalt  }
0x5b: {  	_ =	shalt  }
0x5c: {  	_ =	shalt  }
0x5d: {  	_ =	shalt  }
0x5e: {  	_ =	shalt  }
0x5f: {  	_ =	shalt  }
0x60: {  	_ =	shalt  }
0x61: {  	_ =	shalt  }
0x62: {  	_ =	shalt  }
0x63: {  	_ =	shalt  }
0x64: {  	_ =	shalt  }
0x65: {  	_ =	shalt  }
0x66: {  	_ =	shalt  }
0x67: {  	_ =	shalt  }
0x68: {  	_ =	shalt  }
0x69: {  	_ =	shalt  }
0x6a: {  	_ =	shalt  }
0x6b: {  	_ =	shalt  }
0x6c: {  	_ =	shalt  }
0x6d: {  	_ =	shalt  }
0x6e: {  	_ =	shalt  }
0x6f: {  	_ =	shalt  }
0x70: {  	_ =	shalt  }
0x71: {  	_ =	shalt  }
0x72: {  	_ =	shalt  }
0x73: {  	_ =	shalt  }
0x74: {  	_ =	shalt  }
0x75: {  	_ =	shalt  }
0x76: {  	_ =	shalt  }
0x77: {  	_ =	shalt  }
0x78: {  	_ =	shalt  }
0x79: {  	_ =	shalt  }
0x7a: {  	_ =	shalt  }
0x7b: {  	_ =	shalt  }
0x7c: {  	_ =	shalt  }
0x7d: {  	_ =	shalt  }
0x7e: {  	_ =	shalt  }
0x7f: {  	_ =	shalt  }
0x80: {  	_ =	shalt  }
0x81: {  	_ =	shalt  }
0x82: {  	_ =	shalt  }
0x83: {  	_ =	shalt  }
0x84: {  	_ =	shalt  }
0x85: {  	_ =	shalt  }
0x86: {  	_ =	shalt  }
0x87: {  	_ =	shalt  }
.Lfunc_end0:
.L_simem_size_0:
called_computation.1_lowered:
.L_overlay_start_0:
0x88: {  	s2 =	sld [smem:$0x3FD9]  }
0x89: {  	s3 =	sld [smem:$0x3FFE];
	_ =	sdelay $0x1  }
0x8a: {  	s1 =	srdreg.scid  }
0x8b: {  	s0 =	sand.u32 $0x1, s1  }
0x8c: {  	s17 =	sshll.u32 s0, $0xA;
	s2 =	sadd.s32 s3, s2  }
0x8d: {  	s2 =	sadd.s32 s2, s17  }
0x8e: {  	[smem:$0x3FC4] =	sst s2  }
0x8f: {  	_ = 	snop  }
0x90: {  	s2 =	sld [smem:$0x3FD0];
	(tm) =	ssettm $0x1  }
0x91: {  	s18 =	sld [smem:$0x3FFB];
	_ =	sdelay $0x3  }
0x92: {  	_ =	strace s18  }
0x93: {  	s3 =	sld [smem:$0x3FFC];
	_ =	sdelay $0x3  }
0x94: {  	_ =	strace s3  }
0x95: {  	s3 =	sld [smem:$0x3FFD];
	_ =	sdelay $0x3  }
0x96: {  	_ =	strace s3  }
0x97: {  	_ =	strace $0x8FFFFFFF  }
0x98: {  	s19 =	sld [smem:$0x3FDB];
	_ =	sdelay $0x1  }
0x99: {  	s4 =	simm.s32 $_scs_section_size  }
0x9a: {  	s5 =	simm.s32 $_size__tile_overlayer_lowered;
	s6 =	simm.s32 $_tile_overlayer_lowered  }
0x9b: {  	s22 =	simm.s32 $0x1BFF;
	s21 =	sshll.u32 s6, $0x1;
	s3 =	sadd.s32 s4, s19  }
0x9c: {  	s7 =	simm.s32 $0x0;
	s20 =	sshll.u32 s5, $0x1;
	s5 =	sadd.s32 s21, s3  }
0x9d: {  	[timem:s7], [sflag:s22] =	dma.local [hbm:s5], s20  }
0x9e: {  	_ =	swait.ge [sflag:s22], s20  }
0x9f: {  	s4 =	ssub.s32 $0x0, s20;
	[sflag:s22] =	ssyncset.done $0x0  }
0xa0: {  	[sflag:s22] =	ssyncadd.s32 s4;
	_ =	sdelay $0x1  }
0xa1: {  	s23 =	simm.s32 $0x1B8B  }
0xa2: {  	_ =	swait.ge [sflag:s23], $0x1  }
0xa3: {  	[sflag:s23] =	ssyncset.done $0x0  }
0xa4: {  	s25 =	simm.s32 $0x1B8E;
	s24 =	sld [smem:$0x3FFE];
	[sflag:s23] =	ssyncadd.s32 $0xFFFFFFFF  }
0xa5: {  	s26 =	simm.s32 $execute0_lowered;
	[smem:$0x3FD2] =	sst s25  }
0xa6: {  	s5 =	sshll.u32 s26, $0x1;
	_ =	strace $0x80000049;
	[dreg:$0x1] =	wrdreg $0xFFFFFFFF  }
0xa7: {  	s28 =	simm.s32 $_size_execute0_lowered;
	s3 =	sadd.s32 s3, s5;
	[dreg:$0x0] =	wrdreg $0x0  }
0xa8: {  	s5 =	sshll.u32 s28, $0x1;
	[dreg:$0x2] =	wrdreg s3  }
0xa9: {  	[dreg:$0x3] =	wrdreg s5  }
0xaa: {  	[dreg:$0x4] =	wrdreg $0xC0  }
0xab: {  	_ =	task [dreg:s7], $0x5FFFF  }
0xac: {  	[dreg:$0x1] =	wrdreg $0xFFFFFFFF  }
0xad: {  	[dreg:$0x0] =	wrdreg $0x60  }
0xae: {  	[dreg:$0x2] =	wrdreg s24  }
0xaf: {  	[dreg:$0x3] =	wrdreg s2  }
0xb0: {  	[dreg:$0x4] =	wrdreg $0xC6200  }
0xb1: {  	[dreg:$0x5] =	wrdreg $0x9  }
0xb2: {  	_ =	task.clear_ibuf [dreg:s7], $0x6FFFF;
	_ =	strace $0x90000049  }
0xb3: {  	s29 =	simm.s32 $0x9;
	_ =	strace $0x8000004B  }
0xb4: {  	_ =	swait.ge [sflag:s29], $0x1  }
0xb5: {  	[sflag:s29] =	ssyncadd.s32 $0xFFFFFFFF  }
0xb6: {  	_ =	strace $0x9000004B  }
0xb7: {  	_ =	sfence  }
0xb8: {  	s30 =	sld [smem:$0x0];
	_ =	sdelay $0x2  }
0xb9: {  	s31 =	sshll.u32 s1, $0xD;
	s1 =	sshrl.u32 s1, $0x2  }
0xba: {  	s3 =	sand.u32 $0x4000, s31;
	s1 =	sadd.s32 s1, s30  }
0xbb: {  	s0 =	sor.u32 s3, s0;
	s1 =	sshll.u32 s1, $0x11  }
0xbc: {  	s0 =	sor.u32 s1, s0  }
0xbd: {  	s0 =	sadd.s32 $0x8F2B, s0  }
0xbe: {  	[sflag:s0] =	ssyncadd.remote.s32 $0x1  }
0xbf: {  	_ =	sfence.sel $0xFFFF  }
0xc0: {  	[dreg:$0x0] =	wrdreg $0xFFFFFFFF;
	(pc) =	sbr.abs _section_cstart, $3  }
0xc1: {  	[dreg:$0x1] =	wrdreg $0xFFFFFFFF  }
0xc2: {  	_ =	task.clear_ibuf [dreg:s7], $0x2FFFF;
	_ =	strace $0x9FFFFFFF  }
0xc3: {  	(tm) =	ssettm $0x7FFFFFFF  }
tec
execute0_lowered:
.L_overlay_start_1:
0x0: {  	(tag) =	ssettag $0x1  }
0x1: {  	s0 =	rddreg [dreg:$0x0]  }
0x2: {  	s1 =	srdreg.scid;
	s7 =	rddreg [dreg:$0x1]  }
0x3: {  	s2 =	rddreg [dreg:$0x2];
	s25 =	stileid.u32;
	s3 =	simm.s32 $0x0  }
0x4: {  	s14 =	simm.s32 $0x4E20;
	s15 =	simm.s32 $0x7620;
	s19 =	simm.s32 $0x1  }
0x5: {  	s20 =	simm.s32 $0x9E20;
	s21 =	simm.s32 $0x2;
	s22 =	simm.s32 $0x4  }
0x6: {  	s23 =	simm.s32 $0x3;
	s24 =	simm.s32 $0x5;
	s28 =	simm.s32 $0x6  }
0x7: {  	s29 =	simm.s32 $0x0;
	s6 =	sand.u32 $0x1, s1;
	[smem:$0x7FF] =	sst s3  }
0x8: {  	s11 =	smul.u32 $0x13800, s25;
	s5 =	sadd.s32 $0xAA00, s0;
	s18 =	sadd.s32 $0x138000, s2  }
0x9: {  	p0 =	sne.s32 s25, $0xF;
	s31 =	sshll.u32 s25, $0x6;
	s4 =	sshll.u32 s6, $0x4  }
0xa: {  	_ =	strace $0x8000004A;
	s10 =	ssub.s32 $0x2, s6;
	s13 =	smul.u32 $0x138800, s6  }
0xb: {  	s16 =	sor.u32 $0x1C07, s31;
	s18 =	sshrl.u32 @!p0 s18, $0x3;
	s4 =	sor.u32 s25, s4  }
0xc: {  	s12 =	sshrl.u32 s10, $0x1;
	s17 =	sadd.s32 s11, s2;
	s25 =	simm.s32 $0x4D80  }
0xd: {  	s8 =	smul.u32 $0x4E2, s4;
	s4 =	sadd.s32 $0xD200, s0;
	s10 =	ssub.s32 s10, s12  }
0xe: {  	s26 =	sadd.s32 s11, s13;
	s30 =	sshrl.u32 s13, $0x3;
	s11 =	simm.s32 $0x7  }
0xf: {  	s13 =	simm.s32 $0x50;
	s17 =	sshrl.u32 s17, $0x3;
	s10 =	smax.u32 s10, $0x1  }
0x10: {  	s9 =	sadd.s32 s8, s0;
	s0 =	sadd.s32 $0x34400, s0;
	s7 =	sadd.s32 s7, s8  }
0x11: {  	s8 =	sshrl.u32 s26, $0x3;
	s6 =	sadd.s32 $0xC00, s9;
	s9 =	sadd.s32 s0, s30  }
0x12: {  	s26 =	simm.s32 $0x4DD0;
	s8 =	sadd.s32 s0, s8;
	s9 =	sadd.s32 $0x27000, s9  }
.LBB2_1:
0x13: {  	[tilespmem:s3], [sflag:$0x7] =	stream.linear.gather [hbm4b:s6+s3], $0x2710, $0x38;
	[tilespmem:$0x1FEA0] =	vst v63  }
0x14: {  	_ =	swait.ge [sflag:s11], $0x2710  }
0x15: {  	[sflag:s11] =	ssyncset.done $0x0  }
0x16: {  	s0 =	simm.s32 $0x2710;
	[sflag:s11] =	ssyncadd.s32 $0xFFFFD8F0  }
0x17: {  	[tilespmem:s0], [sflag:$0x7] =	stream.linear.gather [hbm4b:s7+s3], $0x2710, $0x38;
	[tilespmem:$0x1FEA0] =	vst v63  }
0x18: {  	_ =	swait.ge [sflag:s11], $0x2710  }
0x19: {  	[sflag:s11] =	ssyncset.done $0x0  }
0x1a: {  	[sflag:s11] =	ssyncadd.s32 $0xFFFFD8F0  }
0x1b: {  	[tilespmem:s14], [sflag:$0x1] =	stream.indirect.gather [hbm4b:s4+s13], $0x80, s3, s13, $0xb8;
	[tilespmem:$0x1FEA0] =	vst v63  }
0x1c: {  	_ = 	snop  }
0x1d: {  	[tilespmem:s15], [sflag:$0x2] =	stream.indirect.gather [hbm4b:s4+s13], $0x80, s13, s13, $0xb8;
	[tilespmem:$0x1FEA0] =	vst v63  }
0x1e: {  	[spmem:s17], [sflag:s16] =	dma.local [hbm:s5], $0x2700  }
0x1f: {  	_ =	swait.ge [sflag:s11], $0x2700  }
0x20: {  	[sflag:s11] =	ssyncset.done $0x0  }
0x21: {  	s0 =	simm.s32 @!p0 $0x7;
	[sflag:s11] =	ssyncadd.s32 $0xFFFFD900  }
0x22: {  	[spmem:s18], [sflag:s16] =	dma.local @!p0 [hbm:s5], $0x100  }
0x23: {  	_ =	swait.ge @!p0 [sflag:s0], $0x100  }
0x24: {  	[sflag:s0] =	ssyncset.done @!p0 $0x0  }
0x25: {  	[sflag:s0] =	ssyncadd.s32 @!p0 $0xFFFFFF00  }
0x26: {  	[bflag:$0x0] =	sbarrier.arrive $0xFFFF  }
0x27: {  	_ =	swait.ge [sflag:s19], $0x2800  }
0x28: {  	p1 =	por $0x1, $0x1;
	[sflag:s19] =	ssyncset.done $0x0  }
0x29: {  	s12 =	simm.s32 $0x2710;
	s30 =	simm.s32 @!p1 $0x6;
	[sflag:s19] =	ssyncadd.s32 $0xFFFFD800  }
0x2a: {  	[spmem:s2] =	stream.indirect.scatter.add.f32 [tilespmem:s14], [sflag:$0x4], $0x80, s12, s13, $0xb8;
	[tilespmem:$0x1FEA0] =	vst v63  }
0x2b: {  	_ =	swait.ge @!p1 [sflag:s30], $0x2800  }
0x2c: {  	[sflag:s30] =	ssyncset.done @!p1 $0x0  }
0x2d: {  	s1 =	simm.s32 $0xA0;
	[sflag:s30] =	ssyncadd.s32 @!p1 $0xFFFFD800  }
0x2e: {  	[tilespmem:s20], [sflag:$0x3] =	stream.indirect.gather [hbm4b:s4+s13], $0x80, s1, s13, $0xb8;
	[tilespmem:$0x1FEA0] =	vst v63  }
0x2f: {  	_ =	swait.ge [sflag:s21], $0x2800  }
0x30: {  	[sflag:s21] =	ssyncset.done $0x0  }
0x31: {  	s12 =	simm.s32 $0x2760;
	[sflag:s21] =	ssyncadd.s32 $0xFFFFD800  }
0x32: {  	[spmem:s2] =	stream.indirect.scatter.add.f32 [tilespmem:s15], [sflag:$0x5], $0x80, s12, s13, $0xb8;
	[tilespmem:$0x1FEA0] =	vst v63  }
0x33: {  	_ =	swait.ge [sflag:s22], $0x2800  }
0x34: {  	[sflag:s22] =	ssyncset.done $0x0  }
0x35: {  	s1 =	simm.s32 $0xF0;
	[sflag:s22] =	ssyncadd.s32 $0xFFFFD800  }
0x36: {  	[tilespmem:s14], [sflag:$0x1] =	stream.indirect.gather [hbm4b:s4+s13], $0x80, s1, s13, $0xb8;
	[tilespmem:$0x1FEA0] =	vst v63  }
0x37: {  	_ =	swait.ge [sflag:s23], $0x2800  }
0x38: {  	[sflag:s23] =	ssyncset.done $0x0  }
0x39: {  	s12 =	simm.s32 $0x27B0;
	[sflag:s23] =	ssyncadd.s32 $0xFFFFD800  }
0x3a: {  	[spmem:s2] =	stream.indirect.scatter.add.f32 [tilespmem:s20], [sflag:$0x6], $0x80, s12, s13, $0xb8;
	[tilespmem:$0x1FEA0] =	vst v63  }
0x3b: {  	s31 =	simm.s32 $0x3C0;
	_ =	swait.ge [sflag:s24], $0x2800  }
0x3c: {  	s0 =	simm.s32 $0x140;
	s30 =	simm.s32 $0xFFFFFFFF;
	[sflag:s24] =	ssyncset.done $0x0  }
.LBB2_2:
0x3d: {  	[sflag:s24] =	ssyncadd.s32 $0xFFFFD800  }
0x3e: {  	s30 =	sadd.s32 $0x3, s30;
	s1 =	smov.u32 s31;
	s31 =	sadd.s32 $0x3C0, s31  }
0x3f: {  	[tilespmem:s15], [sflag:$0x2] =	stream.indirect.gather [hbm4b:s4+s13], $0x80, s0, s13, $0xb8;
	[tilespmem:$0x1FEA0] =	vst v63  }
0x40: {  	s0 =	sshra.s32 s1, $0x2;
	p1 =	sne.s32 s31, $0x99C0;
	_ =	swait.ge [sflag:s19], $0x2800  }
0x41: {  	p2 =	sgt.u32 s30, $0x79;
	s1 =	sadd.s32 $0x2710, s0;
	[sflag:s19] =	ssyncset.done $0x0  }
0x42: {  	s12 =	simm.s32 @!p2 $0x6;
	[sflag:s19] =	ssyncadd.s32 $0xFFFFD800  }
0x43: {  	[spmem:s2] =	stream.indirect.scatter.add.f32 [tilespmem:s14], [sflag:$0x4], $0x80, s1, s13, $0xb8;
	[tilespmem:$0x1FEA0] =	vst v63  }
0x44: {  	_ =	swait.ge @!p2 [sflag:s12], $0x2800  }
0x45: {  	s1 =	sadd.s32 $0xA0, s0;
	[sflag:s12] =	ssyncset.done @!p2 $0x0  }
0x46: {  	[sflag:s12] =	ssyncadd.s32 @!p2 $0xFFFFD800  }
0x47: {  	[tilespmem:s20], [sflag:$0x3] =	stream.indirect.gather [hbm4b:s4+s13], $0x80, s1, s13, $0xb8;
	[tilespmem:$0x1FEA0] =	vst v63  }
0x48: {  	_ =	swait.ge [sflag:s21], $0x2800  }
0x49: {  	s1 =	sadd.s32 $0x2760, s0;
	[sflag:s21] =	ssyncset.done $0x0  }
0x4a: {  	[sflag:s21] =	ssyncadd.s32 $0xFFFFD800  }
0x4b: {  	[spmem:s2] =	stream.indirect.scatter.add.f32 [tilespmem:s15], [sflag:$0x5], $0x80, s1, s13, $0xb8;
	[tilespmem:$0x1FEA0] =	vst v63  }
0x4c: {  	_ =	swait.ge [sflag:s22], $0x2800  }
0x4d: {  	s1 =	sadd.s32 $0xF0, s0;
	[sflag:s22] =	ssyncset.done $0x0  }
0x4e: {  	[sflag:s22] =	ssyncadd.s32 $0xFFFFD800  }
0x4f: {  	[tilespmem:s14], [sflag:$0x1] =	stream.indirect.gather [hbm4b:s4+s13], $0x80, s1, s13, $0xb8;
	[tilespmem:$0x1FEA0] =	vst v63  }
0x50: {  	_ =	swait.ge [sflag:s23], $0x2800  }
.Ltmp0:
0x51: {  	s1 =	sadd.s32 $0x27B0, s0;
	[sflag:s23] =	ssyncset.done $0x0;
	(pc) =	sbr.rel @p1 .LBB2_2-.Ltmp0, $4  }
0x52: {  	[sflag:s23] =	ssyncadd.s32 $0xFFFFD800  }
0x53: {  	[spmem:s2] =	stream.indirect.scatter.add.f32 [tilespmem:s20], [sflag:$0x6], $0x80, s1, s13, $0xb8;
	[tilespmem:$0x1FEA0] =	vst v63  }
0x54: {  	_ =	swait.ge [sflag:s24], $0x2800  }
0x55: {  	s0 =	sadd.s32 $0x140, s0;
	[sflag:s24] =	ssyncset.done $0x0  }
0x56: {  	[sflag:s24] =	ssyncadd.s32 $0xFFFFD800  }
0x57: {  	[tilespmem:s15], [sflag:$0x2] =	stream.indirect.gather [hbm4b:s4+s13], $0x80, s0, s13, $0xb8;
	[tilespmem:$0x1FEA0] =	vst v63  }
0x58: {  	_ =	swait.ge [sflag:s19], $0x2800  }
0x59: {  	[sflag:s19] =	ssyncset.done $0x0  }
0x5a: {  	[sflag:s19] =	ssyncadd.s32 $0xFFFFD800  }
0x5b: {  	[spmem:s2] =	stream.indirect.scatter.add.f32 [tilespmem:s14], [sflag:$0x4], $0x80, s25, s13, $0xb8;
	[tilespmem:$0x1FEA0] =	vst v63  }
0x5c: {  	_ =	swait.ge [sflag:s21], $0x2800  }
0x5d: {  	[sflag:s21] =	ssyncset.done $0x0  }
0x5e: {  	[sflag:s21] =	ssyncadd.s32 $0xFFFFD800  }
0x5f: {  	[spmem:s2] =	stream.indirect.scatter.add.f32 [tilespmem:s15], [sflag:$0x5], $0x80, s26, s13, $0xb8;
	[tilespmem:$0x1FEA0] =	vst v63  }
0x60: {  	_ =	swait.ge [sflag:s28], $0x2800  }
0x61: {  	[sflag:s28] =	ssyncset.done $0x0  }
0x62: {  	[sflag:s28] =	ssyncadd.s32 $0xFFFFD800  }
0x63: {  	_ =	swait.ge [sflag:s22], $0x2800  }
0x64: {  	[sflag:s22] =	ssyncset.done $0x0  }
0x65: {  	[sflag:s22] =	ssyncadd.s32 $0xFFFFD800  }
0x66: {  	_ =	swait.ge [sflag:s24], $0x2800  }
0x67: {  	[sflag:s24] =	ssyncset.done $0x0  }
0x68: {  	[sflag:s24] =	ssyncadd.s32 $0xFFFFD800  }
0x69: {  	[bflag:$0x0] =	sbarrier.arrive $0xFFFF  }
0x6a: {  	[hbm:s8], [sflag:s16] =	dma.local [spmem:s17], $0x2700  }
0x6b: {  	s29 =	sadd.s32 $0x1, s29;
	_ =	swait.ge [sflag:s11], $0x2700  }
0x6c: {  	p1 =	sne.s32 s29, s10;
	[sflag:s11] =	ssyncset.done $0x0  }
.Ltmp1:
0x6d: {  	s0 =	simm.s32 @!p0 $0x7;
	[sflag:s11] =	ssyncadd.s32 $0xFFFFD900;
	(pc) =	sbr.rel @p1 .LBB2_1-.Ltmp1, $4  }
0x6e: {  	[hbm:s9], [sflag:s16] =	dma.local @!p0 [spmem:s18], $0x100  }
0x6f: {  	_ =	swait.ge @!p0 [sflag:s0], $0x100  }
0x70: {  	[sflag:s0] =	ssyncset.done @!p0 $0x0  }
0x71: {  	[sflag:s0] =	ssyncadd.s32 @!p0 $0xFFFFFF00  }
0x72: {  	_ =	sfence.sel $0x180000  }
0x73: {  	[bflag:$0x0] =	sbarrier.arrive $0xFFFF  }
0x74: {  	_ =	strace $0x9000004A  }
0x75: {  	s0 =	stileid.u32;
	[bflag:$0x2] =	sbarrier.arrive $0xFFFF  }
0x76: {  	p0 =	sne.s32 s0, $0x0;
	s0 =	rddreg [dreg:$0x3]  }
0x77: {  	s0 =	sadd.s32 @!p0 $0x100000, s0  }
0x78: {  	[sflag:s0] =	ssyncadd.tile.s32 @!p0 $0x1;
	_ =	shalt  }
.Lfunc_end2:
_tile_overlayer_lowered:
.L_overlay_start_2:
0x79: {  	(tag) =	ssettag $0x2  }
0x7a: {  	s0 =	rddreg [dreg:$0x0];
	s2 =	stileid.u32  }
0x7b: {  	s1 =	rddreg [dreg:$0x1];
	p0 =	sne.s32 s2, $0x0  }
0x7c: {  	s3 =	rddreg [dreg:$0x2];
	[bflag:$0x3] =	sbarrier.arrive $0xFFFF;
	s2 =	simm.s32 @!p0 $0x1C07  }
0x7d: {  	[timem:s3], [sflag:s2] =	dma.local @!p0 [hbm:s0], s1  }
0x7e: {  	s0 =	simm.s32 @!p0 $0x7  }
0x7f: {  	_ =	swait.ge @!p0 [sflag:s0], s1  }
0x80: {  	s1 =	ssub.s32 @!p0 $0x0, s1;
	[sflag:s0] =	ssyncset.done @!p0 $0x0  }
0x81: {  	[sflag:s0] =	ssyncadd.s32 @!p0 s1  }
0x82: {  	[bflag:$0x3] =	sbarrier.arrive $0xFFFF  }
0x83: {  	_ =	shalt  }

</sc_bundles>
